<compile_context>
chip_gen: v7x
topology: tpu7x:2x2x1
jax: 0.10.2.dev20260603
libtpu: 0.0.44.dev20260713+nightly
codegen_flags: <defaults>
</compile_context>

<pallas_src>
import dataclasses
import functools

import jax
import jax.numpy as jnp
from jax.experimental import pallas as pl
from jax.experimental.pallas import tpu as pltpu
from jax.experimental.pallas import tpu_sc as plsc

_CS = 512
_LANES = 16

_INT_MIN = -(2 ** 31)


def _score_key_kernel(am_ref, h_ref, w_ref, b_ref, out_ref, scores_scr, *, nch, cs):
    j = pl.program_id(1)

    h = h_ref[0]
    w = w_ref[...]
    scores = jax.lax.dot_general(
        h.astype(jnp.bfloat16),
        w.reshape(-1, 1).astype(jnp.bfloat16),
        (((1,), (0,)), ((), ())),
        preferred_element_type=jnp.float32,
    )
    scores_scr[pl.ds(j, 1), :] = scores.reshape(1, cs)

    @pl.when(j == nch - 1)
    def _():
        am = am_ref[0] != 0
        s = scores_scr[...] + b_ref[0, 0]
        bits = jax.lax.bitcast_convert_type(s, jnp.int32)
        skey = jnp.where(bits >= 0, bits, bits ^ jnp.int32(0x7FFFFFFF))
        out_ref[0] = jnp.where(am, skey, jnp.int32(_INT_MIN))


def _compute_score_keys(hidden_states, active_mask, W, b):
    B, S, D = hidden_states.shape
    cs = _CS
    nch = S // cs

    am3 = active_mask.reshape(B, nch, cs).astype(jnp.int32)
    w2 = W.reshape(1, D)
    b2 = b.reshape(1, 1)

    return pl.pallas_call(
        functools.partial(_score_key_kernel, nch=nch, cs=cs),
        grid=(B, nch),
        in_specs=[
            pl.BlockSpec((1, nch, cs), lambda i, j: (i, 0, 0)),
            pl.BlockSpec((1, cs, D), lambda i, j: (i, j, 0)),
            pl.BlockSpec((1, D), lambda i, j: (0, 0)),
            pl.BlockSpec((1, 1), lambda i, j: (0, 0)),
        ],
        out_specs=pl.BlockSpec((1, nch, cs), lambda i, j: (i, 0, 0)),
        out_shape=jax.ShapeDtypeStruct((B, nch, cs), jnp.int32),
        scratch_shapes=[pltpu.VMEM((nch, cs), jnp.float32)],
    )(am3, hidden_states, w2, b2)


def _sc_select(skey, B, S):
    nv = S // _LANES

    mesh = plsc.VectorSubcoreMesh(core_axis_name="c", subcore_axis_name="s",
                                  num_cores=2)
    cp = pltpu.CompilerParams()
    if "needs_layout_passes" in pltpu.CompilerParams.__dataclass_fields__:
        cp = dataclasses.replace(cp, needs_layout_passes=False)

    @functools.partial(
        pl.kernel,
        out_type=jax.ShapeDtypeStruct((B, nv, _LANES), jnp.int32),
        mesh=mesh,
        compiler_params=cp,
        scratch_types=[
            pltpu.VMEM((nv, _LANES), jnp.int32),
            pltpu.VMEM((nv, _LANES), jnp.int32),
            pltpu.SemaphoreType.DMA,
        ],
    )
    def select(skey_hbm, out_hbm, keys, outm, sem):
        cid = jax.lax.axis_index("c")
        sid = jax.lax.axis_index("s")
        row = cid * (B // 2) + sid

        @pl.when(sid < B // 2)
        def _():
            pltpu.async_copy(skey_hbm.at[row], keys, sem).wait()

            zeros = jnp.zeros((_LANES,), jnp.int32)
            ones = jnp.ones((_LANES,), jnp.int32)
            U = 4

            def count_ge3(t1, t2, t3):
                def body(i, accs):
                    a1, a2, a3 = accs
                    for u in range(U):
                        kv = keys[i * U + u]
                        a1 = a1 + jnp.where(kv >= t1, ones, zeros)
                        a2 = a2 + jnp.where(kv >= t2, ones, zeros)
                        a3 = a3 + jnp.where(kv >= t3, ones, zeros)
                    return (a1, a2, a3)
                a1, a2, a3 = jax.lax.fori_loop(0, nv // U, body,
                                               (zeros, zeros, zeros))
                return jnp.sum(a1), jnp.sum(a2), jnp.sum(a3)

            a_, n_pos, _ = count_ge3(jnp.int32(_INT_MIN + 1), jnp.int32(0),
                                     jnp.int32(0))
            a = a_
            k = (a + 1) // 2

            v0 = jnp.where(n_pos >= k, jnp.int32(0), jnp.int32(_INT_MIN))

            def vbody(j, v):
                bit = jnp.left_shift(jnp.int32(1), jnp.int32(29) - 2 * j)
                c1, c2, c3 = count_ge3(v + bit, v + 2 * bit, v + 3 * bit)
                inc = jnp.where(
                    c3 >= k, jnp.int32(3),
                    jnp.where(c2 >= k, jnp.int32(2),
                              jnp.where(c1 >= k, jnp.int32(1), jnp.int32(0))))
                return v + inc * bit

            v = jax.lax.fori_loop(0, 15, vbody, v0)

            c_v, c_v1, c_v2 = count_ge3(v, v + 1, v + 2)
            take = c_v1 >= k
            v = jnp.where(take, v + 1, v)
            n_ge = jnp.where(take, c_v1, c_v)
            n_gt = jnp.where(take, c_v2, c_v1)

            e = n_ge - n_gt
            t = k - n_gt
            lane = jax.lax.iota(jnp.int32, _LANES)

            def count_eq_below(m):
                def body(i, accs):
                    out = []
                    for u in range(U):
                        idx = lane + (i * U + u) * _LANES
                        hit = (keys[i * U + u] == v) & (idx < m)
                        out.append(accs[u] + jnp.where(hit, ones, zeros))
                    return tuple(out)
                accs = jax.lax.fori_loop(0, nv // U, body, (zeros,) * U)
                return jnp.sum(sum(accs[1:], accs[0]))

            def mbody(i, m):
                bit = jnp.left_shift(jnp.int32(1), jnp.int32(11) - i)
                trial = m + bit
                return jnp.where(count_eq_below(trial) < t, trial, m)

            m = jax.lax.cond(
                t == e,
                lambda: jnp.int32(S - 1),
                lambda: jax.lax.fori_loop(0, 12, mbody, jnp.int32(0)),
            )

            keep_any = k > 0

            def wbody(i, _):
                for u in range(U):
                    idx = lane + (i * U + u) * _LANES
                    kv = keys[i * U + u]
                    keep = (kv > v) | ((kv == v) & (idx <= m))
                    keep = keep & keep_any
                    outm[i * U + u] = jnp.where(keep, ones, zeros)
                return 0

            jax.lax.fori_loop(0, nv // U, wbody, 0)

            pltpu.async_copy(outm, out_hbm.at[row], sem).wait()

    return select(skey)


def kernel(hidden_states, active_mask, W, b):
    B, S, D = hidden_states.shape
    skey = _compute_score_keys(hidden_states, active_mask, W, b)
    skey = skey.reshape(B, S // _LANES, _LANES)
    mask = _sc_select(skey, B, S)
    return mask.reshape(B, S).astype(jnp.bool_)

# --- scband reference (transcript-rebuilt; emitter-appended) ---
"""Pipeline reference for scband-expert-choice-router-49383533969971 (READ-ONLY COPY).

The authoritative reference and input builder live on the scoring server;
editing this copy changes nothing except your own understanding.
"""

import jax, jax.numpy as jnp
import numpy as np

B, S, D = 4, 4096, 1024
KEEP_RATIO = 0.5


def setup_inputs(seed: int = 0) -> dict:
    key = jax.random.key(seed)
    k1, k2, k3 = jax.random.split(key, 3)
    hidden_states = jax.random.normal(k1, (B, S, D), dtype=jnp.float32)
    active_mask = jax.random.randint(k2, (B, S), 0, 2) == 1
    # scorer = nn.Linear(d_model, 1)
    W = jax.random.normal(k3, (D, 1), dtype=jnp.float32) * 0.02
    b = jnp.zeros((1,), dtype=jnp.float32)
    return {"hidden_states": hidden_states, "active_mask": active_mask, "W": W, "b": b}


def reference(hidden_states, active_mask, W, b):
    # scores = self.scorer(hidden_states).squeeze(-1)
    scores = (hidden_states @ W).squeeze(-1) + b  # [B, S]
    # scores.masked_fill(~active_mask, -inf)
    scores = jnp.where(active_mask, scores, -jnp.inf)
    keep_mask = jnp.zeros((B, S), dtype=bool)
    active_counts = active_mask.sum(axis=-1)  # int
    keep_counts = jnp.clip(jnp.ceil(active_counts.astype(jnp.float32) * KEEP_RATIO), 1, None).astype(jnp.int32)
    keep_counts = jnp.where(active_counts == 0, active_counts.astype(jnp.int32), keep_counts)
    max_keep = active_mask.shape[-1]
    _, topk_idx = jax.lax.top_k(scores, max_keep)  # [B, max_keep]
    selector = jnp.arange(max_keep)[None, :] < keep_counts[:, None]  # [B, max_keep] bool
    batch_idx = jnp.arange(B)[:, None]
    keep_mask = keep_mask.at[batch_idx, topk_idx].set(selector)
    return keep_mask

if __name__ == "__main__":
    import jax
    _d = setup_inputs()
    print(jax.jit(kernel)(*tuple(_d.values())))

</pallas_src>

<mosaic_0001>
#map = affine_map<(d0, d1) -> (0, 0, 0)>
module attributes {stable_mosaic.version = 14 : i64} {
  func.func @select(%arg0: i32, %arg1: i32, %arg2: memref<4x256x16xi32, #tpu.memory_space<hbm>>, %arg3: memref<4x256x16xi32, #tpu.memory_space<hbm>>, %arg4: memref<256x16xi32, #tpu.memory_space<vmem>>, %arg5: memref<256x16xi32, #tpu.memory_space<vmem>>, %arg6: memref<!tpu.dma_semaphore, #tpu.memory_space<semaphore_mem>>) attributes {dimension_semantics = [#tpu.dimension_semantics<core_parallel>, #tpu.dimension_semantics<subcore_parallel>], iteration_bounds = array<i64: 2, 16>, scalar_prefetch = 0 : i64, scratch_operands = 3 : i64, tpu.core_type = #tpu.core_type<sc_vector_subcore>, window_params = [{transform_indices = #map}, {transform_indices = #map}]} {
    %mul3A = arith.constant 2 : i32
    %mul3A_0 = arith.muli %arg0, %mul3A : i32
    %add3A = arith.addi %mul3A_0, %arg1 : i32
    %lt3A = arith.constant 2 : i32
    %lt3A_1 = arith.cmpi slt, %arg1, %lt3A : i32
    %convert_element_type3A = arith.extui %lt3A_1 : i1 to i32
    %cond3A = arith.constant 0 : i32
    %cond3A_2 = arith.cmpi ne, %convert_element_type3A, %cond3A : i32
    scf.if %cond3A_2 {
      %dma_start3A = arith.constant 0 : i32
      %dma_start3A_3 = arith.constant 0 : i32
      %dma_start3A_4 = tpu.memref_slice %arg2[%add3A, %dma_start3A, %dma_start3A_3] : memref<4x256x16xi32, #tpu.memory_space<hbm>> -> memref<1x256x16xi32, #tpu.memory_space<hbm>>
      %dma_start3A_5 = tpu.memref_squeeze %dma_start3A_4 : memref<1x256x16xi32, #tpu.memory_space<hbm>> -> memref<256x16xi32, #tpu.memory_space<hbm>>
      %dma_start3A_6 = arith.constant 0 : i32
      %dma_start3A_7 = arith.constant 0 : i32
      %dma_start3A_8 = tpu.memref_slice %arg2[%add3A, %dma_start3A_6, %dma_start3A_7] : memref<4x256x16xi32, #tpu.memory_space<hbm>> -> memref<1x256x16xi32, #tpu.memory_space<hbm>>
      %dma_start3A_9 = tpu.memref_squeeze %dma_start3A_8 : memref<1x256x16xi32, #tpu.memory_space<hbm>> -> memref<256x16xi32, #tpu.memory_space<hbm>>
      tpu.enqueue_dma source(%dma_start3A_9 : memref<256x16xi32, #tpu.memory_space<hbm>>) target(%arg4 : memref<256x16xi32, #tpu.memory_space<vmem>>) target_semaphore(%arg6 : memref<!tpu.dma_semaphore, #tpu.memory_space<semaphore_mem>>)
      %dma_wait3A = arith.constant 0 : i32
      %dma_wait3A_10 = arith.constant 0 : i32
      %dma_wait3A_11 = tpu.memref_slice %arg2[%add3A, %dma_wait3A, %dma_wait3A_10] : memref<4x256x16xi32, #tpu.memory_space<hbm>> -> memref<1x256x16xi32, #tpu.memory_space<hbm>>
      %dma_wait3A_12 = tpu.memref_squeeze %dma_wait3A_11 : memref<1x256x16xi32, #tpu.memory_space<hbm>> -> memref<256x16xi32, #tpu.memory_space<hbm>>
      %dma_wait3A_13 = arith.constant 0 : i32
      %dma_wait3A_14 = arith.constant 0 : i32
      %dma_wait3A_15 = tpu.memref_slice %arg2[%add3A, %dma_wait3A_13, %dma_wait3A_14] : memref<4x256x16xi32, #tpu.memory_space<hbm>> -> memref<1x256x16xi32, #tpu.memory_space<hbm>>
      %dma_wait3A_16 = tpu.memref_squeeze %dma_wait3A_15 : memref<1x256x16xi32, #tpu.memory_space<hbm>> -> memref<256x16xi32, #tpu.memory_space<hbm>>
      tpu.wait_dma2 semaphore(%arg6 : memref<!tpu.dma_semaphore, #tpu.memory_space<semaphore_mem>>) src(%dma_wait3A_16 : memref<256x16xi32, #tpu.memory_space<hbm>>) dst(%arg4 : memref<256x16xi32, #tpu.memory_space<vmem>>)
      %broadcast_in_dim3A = arith.constant 0 : i32
      %broadcast_in_dim3A_17 = vector.broadcast %broadcast_in_dim3A : i32 to vector<16xi32>
      %broadcast_in_dim3A_18 = arith.constant 1 : i32
      %broadcast_in_dim3A_19 = vector.broadcast %broadcast_in_dim3A_18 : i32 to vector<16xi32>
      %scan3A = arith.constant -2147483647 : i32
      %scan3A_20 = arith.constant 0 : i32
      %scan3A_21 = arith.constant 0 : i32
      %scan3A_22 = arith.constant 0 : i32
      %scan3A_23 = arith.constant 64 : i32
      %scan3A_24 = arith.addi %scan3A_22, %scan3A_23 : i32
      %scan3A_25 = arith.constant 1 : i32
      %scan3A_26:3 = scf.for %scan3A_124 = %scan3A_22 to %scan3A_24 step %scan3A_25 iter_args(%scan3A_125 = %broadcast_in_dim3A_17, %scan3A_126 = %broadcast_in_dim3A_17, %scan3A_127 = %broadcast_in_dim3A_17) -> (vector<16xi32>, vector<16xi32>, vector<16xi32>)  : i32 {
        %mul3A_128 = arith.constant 4 : i32
        %mul3A_129 = arith.muli %scan3A_124, %mul3A_128 : i32
        %add3A_130 = arith.constant 0 : i32
        %add3A_131 = arith.addi %mul3A_129, %add3A_130 : i32
        %get3A = arith.index_cast %add3A_131 : i32 to index
        %get3A_132 = arith.constant 0 : index
        %get3A_133 = tpu.vector_load %arg4[%get3A, %get3A_132] {strides = array<i32>} : memref<256x16xi32, #tpu.memory_space<vmem>>, vector<16xi32>,
        %ge3A_134 = vector.broadcast %scan3A : i32 to vector<16xi32>
        %ge3A_135 = arith.cmpi sge, %get3A_133, %ge3A_134 : vector<16xi32>
        %select_n3A_136 = arith.select %ge3A_135, %broadcast_in_dim3A_19, %broadcast_in_dim3A_17 : vector<16xi1>, vector<16xi32>
        %add3A_137 = arith.addi %scan3A_125, %select_n3A_136 : vector<16xi32>
        %ge3A_138 = vector.broadcast %scan3A_20 : i32 to vector<16xi32>
        %ge3A_139 = arith.cmpi sge, %get3A_133, %ge3A_138 : vector<16xi32>
        %select_n3A_140 = arith.select %ge3A_139, %broadcast_in_dim3A_19, %broadcast_in_dim3A_17 : vector<16xi1>, vector<16xi32>
        %add3A_141 = arith.addi %scan3A_126, %select_n3A_140 : vector<16xi32>
        %ge3A_142 = vector.broadcast %scan3A_21 : i32 to vector<16xi32>
        %ge3A_143 = arith.cmpi sge, %get3A_133, %ge3A_142 : vector<16xi32>
        %select_n3A_144 = arith.select %ge3A_143, %broadcast_in_dim3A_19, %broadcast_in_dim3A_17 : vector<16xi1>, vector<16xi32>
        %add3A_145 = arith.addi %scan3A_127, %select_n3A_144 : vector<16xi32>
        %mul3A_146 = arith.constant 4 : i32
        %mul3A_147 = arith.muli %scan3A_124, %mul3A_146 : i32
        %add3A_148 = arith.constant 1 : i32
        %add3A_149 = arith.addi %mul3A_147, %add3A_148 : i32
        %get3A_150 = arith.index_cast %add3A_149 : i32 to index
        %get3A_151 = arith.constant 0 : index
        %get3A_152 = tpu.vector_load %arg4[%get3A_150, %get3A_151] {strides = array<i32>} : memref<256x16xi32, #tpu.memory_space<vmem>>, vector<16xi32>,
        %ge3A_153 = vector.broadcast %scan3A : i32 to vector<16xi32>
        %ge3A_154 = arith.cmpi sge, %get3A_152, %ge3A_153 : vector<16xi32>
        %select_n3A_155 = arith.select %ge3A_154, %broadcast_in_dim3A_19, %broadcast_in_dim3A_17 : vector<16xi1>, vector<16xi32>
        %add3A_156 = arith.addi %add3A_137, %select_n3A_155 : vector<16xi32>
        %ge3A_157 = vector.broadcast %scan3A_20 : i32 to vector<16xi32>
        %ge3A_158 = arith.cmpi sge, %get3A_152, %ge3A_157 : vector<16xi32>
        %select_n3A_159 = arith.select %ge3A_158, %broadcast_in_dim3A_19, %broadcast_in_dim3A_17 : vector<16xi1>, vector<16xi32>
        %add3A_160 = arith.addi %add3A_141, %select_n3A_159 : vector<16xi32>
        %ge3A_161 = vector.broadcast %scan3A_21 : i32 to vector<16xi32>
        %ge3A_162 = arith.cmpi sge, %get3A_152, %ge3A_161 : vector<16xi32>
        %select_n3A_163 = arith.select %ge3A_162, %broadcast_in_dim3A_19, %broadcast_in_dim3A_17 : vector<16xi1>, vector<16xi32>
        %add3A_164 = arith.addi %add3A_145, %select_n3A_163 : vector<16xi32>
        %mul3A_165 = arith.constant 4 : i32
        %mul3A_166 = arith.muli %scan3A_124, %mul3A_165 : i32
        %add3A_167 = arith.constant 2 : i32
        %add3A_168 = arith.addi %mul3A_166, %add3A_167 : i32
        %get3A_169 = arith.index_cast %add3A_168 : i32 to index
        %get3A_170 = arith.constant 0 : index
        %get3A_171 = tpu.vector_load %arg4[%get3A_169, %get3A_170] {strides = array<i32>} : memref<256x16xi32, #tpu.memory_space<vmem>>, vector<16xi32>,
        %ge3A_172 = vector.broadcast %scan3A : i32 to vector<16xi32>
        %ge3A_173 = arith.cmpi sge, %get3A_171, %ge3A_172 : vector<16xi32>
        %select_n3A_174 = arith.select %ge3A_173, %broadcast_in_dim3A_19, %broadcast_in_dim3A_17 : vector<16xi1>, vector<16xi32>
        %add3A_175 = arith.addi %add3A_156, %select_n3A_174 : vector<16xi32>
        %ge3A_176 = vector.broadcast %scan3A_20 : i32 to vector<16xi32>
        %ge3A_177 = arith.cmpi sge, %get3A_171, %ge3A_176 : vector<16xi32>
        %select_n3A_178 = arith.select %ge3A_177, %broadcast_in_dim3A_19, %broadcast_in_dim3A_17 : vector<16xi1>, vector<16xi32>
        %add3A_179 = arith.addi %add3A_160, %select_n3A_178 : vector<16xi32>
        %ge3A_180 = vector.broadcast %scan3A_21 : i32 to vector<16xi32>
        %ge3A_181 = arith.cmpi sge, %get3A_171, %ge3A_180 : vector<16xi32>
        %select_n3A_182 = arith.select %ge3A_181, %broadcast_in_dim3A_19, %broadcast_in_dim3A_17 : vector<16xi1>, vector<16xi32>
        %add3A_183 = arith.addi %add3A_164, %select_n3A_182 : vector<16xi32>
        %mul3A_184 = arith.constant 4 : i32
        %mul3A_185 = arith.muli %scan3A_124, %mul3A_184 : i32
        %add3A_186 = arith.constant 3 : i32
        %add3A_187 = arith.addi %mul3A_185, %add3A_186 : i32
        %get3A_188 = arith.index_cast %add3A_187 : i32 to index
        %get3A_189 = arith.constant 0 : index
        %get3A_190 = tpu.vector_load %arg4[%get3A_188, %get3A_189] {strides = array<i32>} : memref<256x16xi32, #tpu.memory_space<vmem>>, vector<16xi32>,
        %ge3A_191 = vector.broadcast %scan3A : i32 to vector<16xi32>
        %ge3A_192 = arith.cmpi sge, %get3A_190, %ge3A_191 : vector<16xi32>
        %select_n3A_193 = arith.select %ge3A_192, %broadcast_in_dim3A_19, %broadcast_in_dim3A_17 : vector<16xi1>, vector<16xi32>
        %add3A_194 = arith.addi %add3A_175, %select_n3A_193 : vector<16xi32>
        %ge3A_195 = vector.broadcast %scan3A_20 : i32 to vector<16xi32>
        %ge3A_196 = arith.cmpi sge, %get3A_190, %ge3A_195 : vector<16xi32>
        %select_n3A_197 = arith.select %ge3A_196, %broadcast_in_dim3A_19, %broadcast_in_dim3A_17 : vector<16xi1>, vector<16xi32>
        %add3A_198 = arith.addi %add3A_179, %select_n3A_197 : vector<16xi32>
        %ge3A_199 = vector.broadcast %scan3A_21 : i32 to vector<16xi32>
        %ge3A_200 = arith.cmpi sge, %get3A_190, %ge3A_199 : vector<16xi32>
        %select_n3A_201 = arith.select %ge3A_200, %broadcast_in_dim3A_19, %broadcast_in_dim3A_17 : vector<16xi1>, vector<16xi32>
        %add3A_202 = arith.addi %add3A_183, %select_n3A_201 : vector<16xi32>
        scf.yield %add3A_194, %add3A_198, %add3A_202 : vector<16xi32>, vector<16xi32>, vector<16xi32>
      }
      %scan3A_27 = arith.constant 64 : i32
      %reduce_sum3A = arith.constant true
      %reduce_sum3A_28 = vector.broadcast %reduce_sum3A : i1 to vector<16xi1>
      %reduce_sum3A_29 = tpu.scan <sum>, %scan3A_26#0 masked %reduce_sum3A_28 : vector<16xi32>, vector<16xi1> -> vector<16xi32>
      %reduce_sum3A_30 = vector.extract %reduce_sum3A_29[15] : i32 from vector<16xi32>
      %reduce_sum3A_31 = arith.constant true
      %reduce_sum3A_32 = vector.broadcast %reduce_sum3A_31 : i1 to vector<16xi1>
      %reduce_sum3A_33 = tpu.scan <sum>, %scan3A_26#1 masked %reduce_sum3A_32 : vector<16xi32>, vector<16xi1> -> vector<16xi32>
      %reduce_sum3A_34 = vector.extract %reduce_sum3A_33[15] : i32 from vector<16xi32>
      %reduce_sum3A_35 = arith.constant true
      %reduce_sum3A_36 = vector.broadcast %reduce_sum3A_35 : i1 to vector<16xi1>
      %reduce_sum3A_37 = tpu.scan <sum>, %scan3A_26#2 masked %reduce_sum3A_36 : vector<16xi32>, vector<16xi1> -> vector<16xi32>
      %reduce_sum3A_38 = vector.extract %reduce_sum3A_37[15] : i32 from vector<16xi32>
      %add3A_39 = arith.constant 1 : i32
      %add3A_40 = arith.addi %reduce_sum3A_30, %add3A_39 : i32
      %jit3A = arith.constant 2 : i32
      %div3A = arith.divsi %add3A_40, %jit3A : i32
      %sign3A = arith.constant 0 : i32
      %sign3A_41 = arith.cmpi sgt, %add3A_40, %sign3A : i32
      %sign3A_42 = arith.extui %sign3A_41 : i1 to i32
      %sign3A_43 = arith.constant 0 : i32
      %sign3A_44 = arith.cmpi slt, %add3A_40, %sign3A_43 : i32
      %sign3A_45 = arith.extui %sign3A_44 : i1 to i32
      %sign3A_46 = arith.subi %sign3A_42, %sign3A_45 : i32
      %sign3A_47 = arith.constant 0 : i32
      %sign3A_48 = arith.cmpi sgt, %jit3A, %sign3A_47 : i32
      %sign3A_49 = arith.extui %sign3A_48 : i1 to i32
      %sign3A_50 = arith.constant 0 : i32
      %sign3A_51 = arith.cmpi slt, %jit3A, %sign3A_50 : i32
      %sign3A_52 = arith.extui %sign3A_51 : i1 to i32
      %sign3A_53 = arith.subi %sign3A_49, %sign3A_52 : i32
      %ne3A = arith.cmpi ne, %sign3A_46, %sign3A_53 : i32
      %rem3A = arith.remsi %add3A_40, %jit3A : i32
      %ne3A_54 = arith.constant 0 : i32
      %ne3A_55 = arith.cmpi ne, %rem3A, %ne3A_54 : i32
      %and3A = arith.andi %ne3A, %ne3A_55 : i1
      %sub3A = arith.constant 1 : i32
      %sub3A_56 = arith.subi %div3A, %sub3A : i32
      %select_n3A = arith.select %and3A, %sub3A_56, %div3A : i32
      %ge3A = arith.cmpi sge, %reduce_sum3A_34, %select_n3A : i32
      %jit3A_57 = arith.constant 0 : i32
      %jit3A_58 = arith.constant -2147483648 : i32
      %select_n3A_59 = arith.select %ge3A, %jit3A_57, %jit3A_58 : i32
      %scan3A_60 = arith.constant 0 : i32
      %scan3A_61 = arith.constant 15 : i32
      %scan3A_62 = arith.addi %scan3A_60, %scan3A_61 : i32
      %scan3A_63 = arith.constant 1 : i32
      %scan3A_64 = scf.for %scan3A_124 = %scan3A_60 to %scan3A_62 step %scan3A_63 iter_args(%scan3A_125 = %select_n3A_59) -> (i32)  : i32 {
        %mul3A_126 = arith.constant 2 : i32
        %mul3A_127 = arith.muli %mul3A_126, %scan3A_124 : i32
        %sub3A_128 = arith.constant 29 : i32
        %sub3A_129 = arith.subi %sub3A_128, %mul3A_127 : i32
        %shift_left3A = arith.constant 1 : i32
        %shift_left3A_130 = arith.shli %shift_left3A, %sub3A_129 : i32
        %add3A_131 = arith.addi %scan3A_125, %shift_left3A_130 : i32
        %mul3A_132 = arith.constant 2 : i32
        %mul3A_133 = arith.muli %mul3A_132, %shift_left3A_130 : i32
        %add3A_134 = arith.addi %scan3A_125, %mul3A_133 : i32
        %mul3A_135 = arith.constant 3 : i32
        %mul3A_136 = arith.muli %mul3A_135, %shift_left3A_130 : i32
        %add3A_137 = arith.addi %scan3A_125, %mul3A_136 : i32
        %scan3A_138 = arith.constant 0 : i32
        %scan3A_139 = arith.constant 64 : i32
        %scan3A_140 = arith.addi %scan3A_138, %scan3A_139 : i32
        %scan3A_141 = arith.constant 1 : i32
        %scan3A_142:3 = scf.for %scan3A_168 = %scan3A_138 to %scan3A_140 step %scan3A_141 iter_args(%scan3A_169 = %broadcast_in_dim3A_17, %scan3A_170 = %broadcast_in_dim3A_17, %scan3A_171 = %broadcast_in_dim3A_17) -> (vector<16xi32>, vector<16xi32>, vector<16xi32>)  : i32 {
          %mul3A_172 = arith.constant 4 : i32
          %mul3A_173 = arith.muli %scan3A_168, %mul3A_172 : i32
          %add3A_174 = arith.constant 0 : i32
          %add3A_175 = arith.addi %mul3A_173, %add3A_174 : i32
          %get3A = arith.index_cast %add3A_175 : i32 to index
          %get3A_176 = arith.constant 0 : index
          %get3A_177 = tpu.vector_load %arg4[%get3A, %get3A_176] {strides = array<i32>} : memref<256x16xi32, #tpu.memory_space<vmem>>, vector<16xi32>,
          %ge3A_178 = vector.broadcast %add3A_131 : i32 to vector<16xi32>
          %ge3A_179 = arith.cmpi sge, %get3A_177, %ge3A_178 : vector<16xi32>
          %select_n3A_180 = arith.select %ge3A_179, %broadcast_in_dim3A_19, %broadcast_in_dim3A_17 : vector<16xi1>, vector<16xi32>
          %add3A_181 = arith.addi %scan3A_169, %select_n3A_180 : vector<16xi32>
          %ge3A_182 = vector.broadcast %add3A_134 : i32 to vector<16xi32>
          %ge3A_183 = arith.cmpi sge, %get3A_177, %ge3A_182 : vector<16xi32>
          %select_n3A_184 = arith.select %ge3A_183, %broadcast_in_dim3A_19, %broadcast_in_dim3A_17 : vector<16xi1>, vector<16xi32>
          %add3A_185 = arith.addi %scan3A_170, %select_n3A_184 : vector<16xi32>
          %ge3A_186 = vector.broadcast %add3A_137 : i32 to vector<16xi32>
          %ge3A_187 = arith.cmpi sge, %get3A_177, %ge3A_186 : vector<16xi32>
          %select_n3A_188 = arith.select %ge3A_187, %broadcast_in_dim3A_19, %broadcast_in_dim3A_17 : vector<16xi1>, vector<16xi32>
          %add3A_189 = arith.addi %scan3A_171, %select_n3A_188 : vector<16xi32>
          %mul3A_190 = arith.constant 4 : i32
          %mul3A_191 = arith.muli %scan3A_168, %mul3A_190 : i32
          %add3A_192 = arith.constant 1 : i32
          %add3A_193 = arith.addi %mul3A_191, %add3A_192 : i32
          %get3A_194 = arith.index_cast %add3A_193 : i32 to index
          %get3A_195 = arith.constant 0 : index
          %get3A_196 = tpu.vector_load %arg4[%get3A_194, %get3A_195] {strides = array<i32>} : memref<256x16xi32, #tpu.memory_space<vmem>>, vector<16xi32>,
          %ge3A_197 = vector.broadcast %add3A_131 : i32 to vector<16xi32>
          %ge3A_198 = arith.cmpi sge, %get3A_196, %ge3A_197 : vector<16xi32>
          %select_n3A_199 = arith.select %ge3A_198, %broadcast_in_dim3A_19, %broadcast_in_dim3A_17 : vector<16xi1>, vector<16xi32>
          %add3A_200 = arith.addi %add3A_181, %select_n3A_199 : vector<16xi32>
          %ge3A_201 = vector.broadcast %add3A_134 : i32 to vector<16xi32>
          %ge3A_202 = arith.cmpi sge, %get3A_196, %ge3A_201 : vector<16xi32>
          %select_n3A_203 = arith.select %ge3A_202, %broadcast_in_dim3A_19, %broadcast_in_dim3A_17 : vector<16xi1>, vector<16xi32>
          %add3A_204 = arith.addi %add3A_185, %select_n3A_203 : vector<16xi32>
          %ge3A_205 = vector.broadcast %add3A_137 : i32 to vector<16xi32>
          %ge3A_206 = arith.cmpi sge, %get3A_196, %ge3A_205 : vector<16xi32>
          %select_n3A_207 = arith.select %ge3A_206, %broadcast_in_dim3A_19, %broadcast_in_dim3A_17 : vector<16xi1>, vector<16xi32>
          %add3A_208 = arith.addi %add3A_189, %select_n3A_207 : vector<16xi32>
          %mul3A_209 = arith.constant 4 : i32
          %mul3A_210 = arith.muli %scan3A_168, %mul3A_209 : i32
          %add3A_211 = arith.constant 2 : i32
          %add3A_212 = arith.addi %mul3A_210, %add3A_211 : i32
          %get3A_213 = arith.index_cast %add3A_212 : i32 to index
          %get3A_214 = arith.constant 0 : index
          %get3A_215 = tpu.vector_load %arg4[%get3A_213, %get3A_214] {strides = array<i32>} : memref<256x16xi32, #tpu.memory_space<vmem>>, vector<16xi32>,
          %ge3A_216 = vector.broadcast %add3A_131 : i32 to vector<16xi32>
          %ge3A_217 = arith.cmpi sge, %get3A_215, %ge3A_216 : vector<16xi32>
          %select_n3A_218 = arith.select %ge3A_217, %broadcast_in_dim3A_19, %broadcast_in_dim3A_17 : vector<16xi1>, vector<16xi32>
          %add3A_219 = arith.addi %add3A_200, %select_n3A_218 : vector<16xi32>
          %ge3A_220 = vector.broadcast %add3A_134 : i32 to vector<16xi32>
          %ge3A_221 = arith.cmpi sge, %get3A_215, %ge3A_220 : vector<16xi32>
          %select_n3A_222 = arith.select %ge3A_221, %broadcast_in_dim3A_19, %broadcast_in_dim3A_17 : vector<16xi1>, vector<16xi32>
          %add3A_223 = arith.addi %add3A_204, %select_n3A_222 : vector<16xi32>
          %ge3A_224 = vector.broadcast %add3A_137 : i32 to vector<16xi32>
          %ge3A_225 = arith.cmpi sge, %get3A_215, %ge3A_224 : vector<16xi32>
          %select_n3A_226 = arith.select %ge3A_225, %broadcast_in_dim3A_19, %broadcast_in_dim3A_17 : vector<16xi1>, vector<16xi32>
          %add3A_227 = arith.addi %add3A_208, %select_n3A_226 : vector<16xi32>
          %mul3A_228 = arith.constant 4 : i32
          %mul3A_229 = arith.muli %scan3A_168, %mul3A_228 : i32
          %add3A_230 = arith.constant 3 : i32
          %add3A_231 = arith.addi %mul3A_229, %add3A_230 : i32
          %get3A_232 = arith.index_cast %add3A_231 : i32 to index
          %get3A_233 = arith.constant 0 : index
          %get3A_234 = tpu.vector_load %arg4[%get3A_232, %get3A_233] {strides = array<i32>} : memref<256x16xi32, #tpu.memory_space<vmem>>, vector<16xi32>,
          %ge3A_235 = vector.broadcast %add3A_131 : i32 to vector<16xi32>
          %ge3A_236 = arith.cmpi sge, %get3A_234, %ge3A_235 : vector<16xi32>
          %select_n3A_237 = arith.select %ge3A_236, %broadcast_in_dim3A_19, %broadcast_in_dim3A_17 : vector<16xi1>, vector<16xi32>
          %add3A_238 = arith.addi %add3A_219, %select_n3A_237 : vector<16xi32>
          %ge3A_239 = vector.broadcast %add3A_134 : i32 to vector<16xi32>
          %ge3A_240 = arith.cmpi sge, %get3A_234, %ge3A_239 : vector<16xi32>
          %select_n3A_241 = arith.select %ge3A_240, %broadcast_in_dim3A_19, %broadcast_in_dim3A_17 : vector<16xi1>, vector<16xi32>
          %add3A_242 = arith.addi %add3A_223, %select_n3A_241 : vector<16xi32>
          %ge3A_243 = vector.broadcast %add3A_137 : i32 to vector<16xi32>
          %ge3A_244 = arith.cmpi sge, %get3A_234, %ge3A_243 : vector<16xi32>
          %select_n3A_245 = arith.select %ge3A_244, %broadcast_in_dim3A_19, %broadcast_in_dim3A_17 : vector<16xi1>, vector<16xi32>
          %add3A_246 = arith.addi %add3A_227, %select_n3A_245 : vector<16xi32>
          scf.yield %add3A_238, %add3A_242, %add3A_246 : vector<16xi32>, vector<16xi32>, vector<16xi32>
        }
        %scan3A_143 = arith.constant 64 : i32
        %reduce_sum3A_144 = arith.constant true
        %reduce_sum3A_145 = vector.broadcast %reduce_sum3A_144 : i1 to vector<16xi1>
        %reduce_sum3A_146 = tpu.scan <sum>, %scan3A_142#0 masked %reduce_sum3A_145 : vector<16xi32>, vector<16xi1> -> vector<16xi32>
        %reduce_sum3A_147 = vector.extract %reduce_sum3A_146[15] : i32 from vector<16xi32>
        %reduce_sum3A_148 = arith.constant true
        %reduce_sum3A_149 = vector.broadcast %reduce_sum3A_148 : i1 to vector<16xi1>
        %reduce_sum3A_150 = tpu.scan <sum>, %scan3A_142#1 masked %reduce_sum3A_149 : vector<16xi32>, vector<16xi1> -> vector<16xi32>
        %reduce_sum3A_151 = vector.extract %reduce_sum3A_150[15] : i32 from vector<16xi32>
        %reduce_sum3A_152 = arith.constant true
        %reduce_sum3A_153 = vector.broadcast %reduce_sum3A_152 : i1 to vector<16xi1>
        %reduce_sum3A_154 = tpu.scan <sum>, %scan3A_142#2 masked %reduce_sum3A_153 : vector<16xi32>, vector<16xi1> -> vector<16xi32>
        %reduce_sum3A_155 = vector.extract %reduce_sum3A_154[15] : i32 from vector<16xi32>
        %ge3A_156 = arith.cmpi sge, %reduce_sum3A_155, %select_n3A : i32
        %ge3A_157 = arith.cmpi sge, %reduce_sum3A_151, %select_n3A : i32
        %ge3A_158 = arith.cmpi sge, %reduce_sum3A_147, %select_n3A : i32
        %jit3A_159 = arith.constant 1 : i32
        %jit3A_160 = arith.constant 0 : i32
        %select_n3A_161 = arith.select %ge3A_158, %jit3A_159, %jit3A_160 : i32
        %jit3A_162 = arith.constant 2 : i32
        %select_n3A_163 = arith.select %ge3A_157, %jit3A_162, %select_n3A_161 : i32
        %jit3A_164 = arith.constant 3 : i32
        %select_n3A_165 = arith.select %ge3A_156, %jit3A_164, %select_n3A_163 : i32
        %mul3A_166 = arith.muli %select_n3A_165, %shift_left3A_130 : i32
        %add3A_167 = arith.addi %scan3A_125, %mul3A_166 : i32
        scf.yield %add3A_167 : i32
      }
      %scan3A_65 = arith.constant 15 : i32
      %add3A_66 = arith.constant 1 : i32
      %add3A_67 = arith.addi %scan3A_64, %add3A_66 : i32
      %add3A_68 = arith.constant 2 : i32
      %add3A_69 = arith.addi %scan3A_64, %add3A_68 : i32
      %scan3A_70 = arith.constant 0 : i32
      %scan3A_71 = arith.constant 64 : i32
      %scan3A_72 = arith.addi %scan3A_70, %scan3A_71 : i32
      %scan3A_73 = arith.constant 1 : i32
      %scan3A_74:3 = scf.for %scan3A_124 = %scan3A_70 to %scan3A_72 step %scan3A_73 iter_args(%scan3A_125 = %broadcast_in_dim3A_17, %scan3A_126 = %broadcast_in_dim3A_17, %scan3A_127 = %broadcast_in_dim3A_17) -> (vector<16xi32>, vector<16xi32>, vector<16xi32>)  : i32 {
        %mul3A_128 = arith.constant 4 : i32
        %mul3A_129 = arith.muli %scan3A_124, %mul3A_128 : i32
        %add3A_130 = arith.constant 0 : i32
        %add3A_131 = arith.addi %mul3A_129, %add3A_130 : i32
        %get3A = arith.index_cast %add3A_131 : i32 to index
        %get3A_132 = arith.constant 0 : index
        %get3A_133 = tpu.vector_load %arg4[%get3A, %get3A_132] {strides = array<i32>} : memref<256x16xi32, #tpu.memory_space<vmem>>, vector<16xi32>,
        %ge3A_134 = vector.broadcast %scan3A_64 : i32 to vector<16xi32>
        %ge3A_135 = arith.cmpi sge, %get3A_133, %ge3A_134 : vector<16xi32>
        %select_n3A_136 = arith.select %ge3A_135, %broadcast_in_dim3A_19, %broadcast_in_dim3A_17 : vector<16xi1>, vector<16xi32>
        %add3A_137 = arith.addi %scan3A_125, %select_n3A_136 : vector<16xi32>
        %ge3A_138 = vector.broadcast %add3A_67 : i32 to vector<16xi32>
        %ge3A_139 = arith.cmpi sge, %get3A_133, %ge3A_138 : vector<16xi32>
        %select_n3A_140 = arith.select %ge3A_139, %broadcast_in_dim3A_19, %broadcast_in_dim3A_17 : vector<16xi1>, vector<16xi32>
        %add3A_141 = arith.addi %scan3A_126, %select_n3A_140 : vector<16xi32>
        %ge3A_142 = vector.broadcast %add3A_69 : i32 to vector<16xi32>
        %ge3A_143 = arith.cmpi sge, %get3A_133, %ge3A_142 : vector<16xi32>
        %select_n3A_144 = arith.select %ge3A_143, %broadcast_in_dim3A_19, %broadcast_in_dim3A_17 : vector<16xi1>, vector<16xi32>
        %add3A_145 = arith.addi %scan3A_127, %select_n3A_144 : vector<16xi32>
        %mul3A_146 = arith.constant 4 : i32
        %mul3A_147 = arith.muli %scan3A_124, %mul3A_146 : i32
        %add3A_148 = arith.constant 1 : i32
        %add3A_149 = arith.addi %mul3A_147, %add3A_148 : i32
        %get3A_150 = arith.index_cast %add3A_149 : i32 to index
        %get3A_151 = arith.constant 0 : index
        %get3A_152 = tpu.vector_load %arg4[%get3A_150, %get3A_151] {strides = array<i32>} : memref<256x16xi32, #tpu.memory_space<vmem>>, vector<16xi32>,
        %ge3A_153 = vector.broadcast %scan3A_64 : i32 to vector<16xi32>
        %ge3A_154 = arith.cmpi sge, %get3A_152, %ge3A_153 : vector<16xi32>
        %select_n3A_155 = arith.select %ge3A_154, %broadcast_in_dim3A_19, %broadcast_in_dim3A_17 : vector<16xi1>, vector<16xi32>
        %add3A_156 = arith.addi %add3A_137, %select_n3A_155 : vector<16xi32>
        %ge3A_157 = vector.broadcast %add3A_67 : i32 to vector<16xi32>
        %ge3A_158 = arith.cmpi sge, %get3A_152, %ge3A_157 : vector<16xi32>
        %select_n3A_159 = arith.select %ge3A_158, %broadcast_in_dim3A_19, %broadcast_in_dim3A_17 : vector<16xi1>, vector<16xi32>
        %add3A_160 = arith.addi %add3A_141, %select_n3A_159 : vector<16xi32>
        %ge3A_161 = vector.broadcast %add3A_69 : i32 to vector<16xi32>
        %ge3A_162 = arith.cmpi sge, %get3A_152, %ge3A_161 : vector<16xi32>
        %select_n3A_163 = arith.select %ge3A_162, %broadcast_in_dim3A_19, %broadcast_in_dim3A_17 : vector<16xi1>, vector<16xi32>
        %add3A_164 = arith.addi %add3A_145, %select_n3A_163 : vector<16xi32>
        %mul3A_165 = arith.constant 4 : i32
        %mul3A_166 = arith.muli %scan3A_124, %mul3A_165 : i32
        %add3A_167 = arith.constant 2 : i32
        %add3A_168 = arith.addi %mul3A_166, %add3A_167 : i32
        %get3A_169 = arith.index_cast %add3A_168 : i32 to index
        %get3A_170 = arith.constant 0 : index
        %get3A_171 = tpu.vector_load %arg4[%get3A_169, %get3A_170] {strides = array<i32>} : memref<256x16xi32, #tpu.memory_space<vmem>>, vector<16xi32>,
        %ge3A_172 = vector.broadcast %scan3A_64 : i32 to vector<16xi32>
        %ge3A_173 = arith.cmpi sge, %get3A_171, %ge3A_172 : vector<16xi32>
        %select_n3A_174 = arith.select %ge3A_173, %broadcast_in_dim3A_19, %broadcast_in_dim3A_17 : vector<16xi1>, vector<16xi32>
        %add3A_175 = arith.addi %add3A_156, %select_n3A_174 : vector<16xi32>
        %ge3A_176 = vector.broadcast %add3A_67 : i32 to vector<16xi32>
        %ge3A_177 = arith.cmpi sge, %get3A_171, %ge3A_176 : vector<16xi32>
        %select_n3A_178 = arith.select %ge3A_177, %broadcast_in_dim3A_19, %broadcast_in_dim3A_17 : vector<16xi1>, vector<16xi32>
        %add3A_179 = arith.addi %add3A_160, %select_n3A_178 : vector<16xi32>
        %ge3A_180 = vector.broadcast %add3A_69 : i32 to vector<16xi32>
        %ge3A_181 = arith.cmpi sge, %get3A_171, %ge3A_180 : vector<16xi32>
        %select_n3A_182 = arith.select %ge3A_181, %broadcast_in_dim3A_19, %broadcast_in_dim3A_17 : vector<16xi1>, vector<16xi32>
        %add3A_183 = arith.addi %add3A_164, %select_n3A_182 : vector<16xi32>
        %mul3A_184 = arith.constant 4 : i32
        %mul3A_185 = arith.muli %scan3A_124, %mul3A_184 : i32
        %add3A_186 = arith.constant 3 : i32
        %add3A_187 = arith.addi %mul3A_185, %add3A_186 : i32
        %get3A_188 = arith.index_cast %add3A_187 : i32 to index
        %get3A_189 = arith.constant 0 : index
        %get3A_190 = tpu.vector_load %arg4[%get3A_188, %get3A_189] {strides = array<i32>} : memref<256x16xi32, #tpu.memory_space<vmem>>, vector<16xi32>,
        %ge3A_191 = vector.broadcast %scan3A_64 : i32 to vector<16xi32>
        %ge3A_192 = arith.cmpi sge, %get3A_190, %ge3A_191 : vector<16xi32>
        %select_n3A_193 = arith.select %ge3A_192, %broadcast_in_dim3A_19, %broadcast_in_dim3A_17 : vector<16xi1>, vector<16xi32>
        %add3A_194 = arith.addi %add3A_175, %select_n3A_193 : vector<16xi32>
        %ge3A_195 = vector.broadcast %add3A_67 : i32 to vector<16xi32>
        %ge3A_196 = arith.cmpi sge, %get3A_190, %ge3A_195 : vector<16xi32>
        %select_n3A_197 = arith.select %ge3A_196, %broadcast_in_dim3A_19, %broadcast_in_dim3A_17 : vector<16xi1>, vector<16xi32>
        %add3A_198 = arith.addi %add3A_179, %select_n3A_197 : vector<16xi32>
        %ge3A_199 = vector.broadcast %add3A_69 : i32 to vector<16xi32>
        %ge3A_200 = arith.cmpi sge, %get3A_190, %ge3A_199 : vector<16xi32>
        %select_n3A_201 = arith.select %ge3A_200, %broadcast_in_dim3A_19, %broadcast_in_dim3A_17 : vector<16xi1>, vector<16xi32>
        %add3A_202 = arith.addi %add3A_183, %select_n3A_201 : vector<16xi32>
        scf.yield %add3A_194, %add3A_198, %add3A_202 : vector<16xi32>, vector<16xi32>, vector<16xi32>
      }
      %scan3A_75 = arith.constant 64 : i32
      %reduce_sum3A_76 = arith.constant true
      %reduce_sum3A_77 = vector.broadcast %reduce_sum3A_76 : i1 to vector<16xi1>
      %reduce_sum3A_78 = tpu.scan <sum>, %scan3A_74#0 masked %reduce_sum3A_77 : vector<16xi32>, vector<16xi1> -> vector<16xi32>
      %reduce_sum3A_79 = vector.extract %reduce_sum3A_78[15] : i32 from vector<16xi32>
      %reduce_sum3A_80 = arith.constant true
      %reduce_sum3A_81 = vector.broadcast %reduce_sum3A_80 : i1 to vector<16xi1>
      %reduce_sum3A_82 = tpu.scan <sum>, %scan3A_74#1 masked %reduce_sum3A_81 : vector<16xi32>, vector<16xi1> -> vector<16xi32>
      %reduce_sum3A_83 = vector.extract %reduce_sum3A_82[15] : i32 from vector<16xi32>
      %reduce_sum3A_84 = arith.constant true
      %reduce_sum3A_85 = vector.broadcast %reduce_sum3A_84 : i1 to vector<16xi1>
      %reduce_sum3A_86 = tpu.scan <sum>, %scan3A_74#2 masked %reduce_sum3A_85 : vector<16xi32>, vector<16xi1> -> vector<16xi32>
      %reduce_sum3A_87 = vector.extract %reduce_sum3A_86[15] : i32 from vector<16xi32>
      %ge3A_88 = arith.cmpi sge, %reduce_sum3A_83, %select_n3A : i32
      %add3A_89 = arith.constant 1 : i32
      %add3A_90 = arith.addi %scan3A_64, %add3A_89 : i32
      %select_n3A_91 = arith.select %ge3A_88, %add3A_90, %scan3A_64 : i32
      %select_n3A_92 = arith.select %ge3A_88, %reduce_sum3A_83, %reduce_sum3A_79 : i32
      %select_n3A_93 = arith.select %ge3A_88, %reduce_sum3A_87, %reduce_sum3A_83 : i32
      %sub3A_94 = arith.subi %select_n3A_92, %select_n3A_93 : i32
      %sub3A_95 = arith.subi %select_n3A, %select_n3A_93 : i32
      %iota3A = tpu.iota {dimensions = array<i32: 0>} : vector<16xi32>
      %eq3A = arith.cmpi eq, %sub3A_95, %sub3A_94 : i32
      %convert_element_type3A_96 = arith.extui %eq3A : i1 to i32
      %cond3A_97 = arith.constant 0 : i32
      %cond3A_98 = arith.cmpi ne, %convert_element_type3A_96, %cond3A_97 : i32
      %cond3A_99 = scf.if %cond3A_98 -> (i32) {
        %cond3A_124 = arith.constant 4095 : i32
        scf.yield %cond3A_124 : i32
      } else {
        %scan3A_124 = arith.constant 0 : i32
        %scan3A_125 = arith.constant 0 : i32
        %scan3A_126 = arith.constant 12 : i32
        %scan3A_127 = arith.addi %scan3A_125, %scan3A_126 : i32
        %scan3A_128 = arith.constant 1 : i32
        %scan3A_129 = scf.for %scan3A_131 = %scan3A_125 to %scan3A_127 step %scan3A_128 iter_args(%scan3A_132 = %scan3A_124) -> (i32)  : i32 {
          %sub3A_133 = arith.constant 11 : i32
          %sub3A_134 = arith.subi %sub3A_133, %scan3A_131 : i32
          %shift_left3A = arith.constant 1 : i32
          %shift_left3A_135 = arith.shli %shift_left3A, %sub3A_134 : i32
          %add3A_136 = arith.addi %scan3A_132, %shift_left3A_135 : i32
          %scan3A_137 = arith.constant 0 : i32
          %scan3A_138 = arith.constant 64 : i32
          %scan3A_139 = arith.addi %scan3A_137, %scan3A_138 : i32
          %scan3A_140 = arith.constant 1 : i32
          %scan3A_141:4 = scf.for %scan3A_152 = %scan3A_137 to %scan3A_139 step %scan3A_140 iter_args(%scan3A_153 = %broadcast_in_dim3A_17, %scan3A_154 = %broadcast_in_dim3A_17, %scan3A_155 = %broadcast_in_dim3A_17, %scan3A_156 = %broadcast_in_dim3A_17) -> (vector<16xi32>, vector<16xi32>, vector<16xi32>, vector<16xi32>)  : i32 {
            %mul3A_157 = arith.constant 4 : i32
            %mul3A_158 = arith.muli %scan3A_152, %mul3A_157 : i32
            %add3A_159 = arith.constant 0 : i32
            %add3A_160 = arith.addi %mul3A_158, %add3A_159 : i32
            %mul3A_161 = arith.constant 16 : i32
            %mul3A_162 = arith.muli %add3A_160, %mul3A_161 : i32
            %add3A_163 = vector.broadcast %mul3A_162 : i32 to vector<16xi32>
            %add3A_164 = arith.addi %iota3A, %add3A_163 : vector<16xi32>
            %mul3A_165 = arith.constant 4 : i32
            %mul3A_166 = arith.muli %scan3A_152, %mul3A_165 : i32
            %add3A_167 = arith.constant 0 : i32
            %add3A_168 = arith.addi %mul3A_166, %add3A_167 : i32
            %get3A = arith.index_cast %add3A_168 : i32 to index
            %get3A_169 = arith.constant 0 : index
            %get3A_170 = tpu.vector_load %arg4[%get3A, %get3A_169] {strides = array<i32>} : memref<256x16xi32, #tpu.memory_space<vmem>>, vector<16xi32>,
            %eq3A_171 = vector.broadcast %select_n3A_91 : i32 to vector<16xi32>
            %eq3A_172 = arith.cmpi eq, %get3A_170, %eq3A_171 : vector<16xi32>
            %lt3A_173 = vector.broadcast %add3A_136 : i32 to vector<16xi32>
            %lt3A_174 = arith.cmpi slt, %add3A_164, %lt3A_173 : vector<16xi32>
            %and3A_175 = arith.andi %eq3A_172, %lt3A_174 : vector<16xi1>
            %select_n3A_176 = arith.select %and3A_175, %broadcast_in_dim3A_19, %broadcast_in_dim3A_17 : vector<16xi1>, vector<16xi32>
            %add3A_177 = arith.addi %scan3A_153, %select_n3A_176 : vector<16xi32>
            %mul3A_178 = arith.constant 4 : i32
            %mul3A_179 = arith.muli %scan3A_152, %mul3A_178 : i32
            %add3A_180 = arith.constant 1 : i32
            %add3A_181 = arith.addi %mul3A_179, %add3A_180 : i32
            %mul3A_182 = arith.constant 16 : i32
            %mul3A_183 = arith.muli %add3A_181, %mul3A_182 : i32
            %add3A_184 = vector.broadcast %mul3A_183 : i32 to vector<16xi32>
            %add3A_185 = arith.addi %iota3A, %add3A_184 : vector<16xi32>
            %mul3A_186 = arith.constant 4 : i32
            %mul3A_187 = arith.muli %scan3A_152, %mul3A_186 : i32
            %add3A_188 = arith.constant 1 : i32
            %add3A_189 = arith.addi %mul3A_187, %add3A_188 : i32
            %get3A_190 = arith.index_cast %add3A_189 : i32 to index
            %get3A_191 = arith.constant 0 : index
            %get3A_192 = tpu.vector_load %arg4[%get3A_190, %get3A_191] {strides = array<i32>} : memref<256x16xi32, #tpu.memory_space<vmem>>, vector<16xi32>,
            %eq3A_193 = vector.broadcast %select_n3A_91 : i32 to vector<16xi32>
            %eq3A_194 = arith.cmpi eq, %get3A_192, %eq3A_193 : vector<16xi32>
            %lt3A_195 = vector.broadcast %add3A_136 : i32 to vector<16xi32>
            %lt3A_196 = arith.cmpi slt, %add3A_185, %lt3A_195 : vector<16xi32>
            %and3A_197 = arith.andi %eq3A_194, %lt3A_196 : vector<16xi1>
            %select_n3A_198 = arith.select %and3A_197, %broadcast_in_dim3A_19, %broadcast_in_dim3A_17 : vector<16xi1>, vector<16xi32>
            %add3A_199 = arith.addi %scan3A_154, %select_n3A_198 : vector<16xi32>
            %mul3A_200 = arith.constant 4 : i32
            %mul3A_201 = arith.muli %scan3A_152, %mul3A_200 : i32
            %add3A_202 = arith.constant 2 : i32
            %add3A_203 = arith.addi %mul3A_201, %add3A_202 : i32
            %mul3A_204 = arith.constant 16 : i32
            %mul3A_205 = arith.muli %add3A_203, %mul3A_204 : i32
            %add3A_206 = vector.broadcast %mul3A_205 : i32 to vector<16xi32>
            %add3A_207 = arith.addi %iota3A, %add3A_206 : vector<16xi32>
            %mul3A_208 = arith.constant 4 : i32
            %mul3A_209 = arith.muli %scan3A_152, %mul3A_208 : i32
            %add3A_210 = arith.constant 2 : i32
            %add3A_211 = arith.addi %mul3A_209, %add3A_210 : i32
            %get3A_212 = arith.index_cast %add3A_211 : i32 to index
            %get3A_213 = arith.constant 0 : index
            %get3A_214 = tpu.vector_load %arg4[%get3A_212, %get3A_213] {strides = array<i32>} : memref<256x16xi32, #tpu.memory_space<vmem>>, vector<16xi32>,
            %eq3A_215 = vector.broadcast %select_n3A_91 : i32 to vector<16xi32>
            %eq3A_216 = arith.cmpi eq, %get3A_214, %eq3A_215 : vector<16xi32>
            %lt3A_217 = vector.broadcast %add3A_136 : i32 to vector<16xi32>
            %lt3A_218 = arith.cmpi slt, %add3A_207, %lt3A_217 : vector<16xi32>
            %and3A_219 = arith.andi %eq3A_216, %lt3A_218 : vector<16xi1>
            %select_n3A_220 = arith.select %and3A_219, %broadcast_in_dim3A_19, %broadcast_in_dim3A_17 : vector<16xi1>, vector<16xi32>
            %add3A_221 = arith.addi %scan3A_155, %select_n3A_220 : vector<16xi32>
            %mul3A_222 = arith.constant 4 : i32
            %mul3A_223 = arith.muli %scan3A_152, %mul3A_222 : i32
            %add3A_224 = arith.constant 3 : i32
            %add3A_225 = arith.addi %mul3A_223, %add3A_224 : i32
            %mul3A_226 = arith.constant 16 : i32
            %mul3A_227 = arith.muli %add3A_225, %mul3A_226 : i32
            %add3A_228 = vector.broadcast %mul3A_227 : i32 to vector<16xi32>
            %add3A_229 = arith.addi %iota3A, %add3A_228 : vector<16xi32>
            %mul3A_230 = arith.constant 4 : i32
            %mul3A_231 = arith.muli %scan3A_152, %mul3A_230 : i32
            %add3A_232 = arith.constant 3 : i32
            %add3A_233 = arith.addi %mul3A_231, %add3A_232 : i32
            %get3A_234 = arith.index_cast %add3A_233 : i32 to index
            %get3A_235 = arith.constant 0 : index
            %get3A_236 = tpu.vector_load %arg4[%get3A_234, %get3A_235] {strides = array<i32>} : memref<256x16xi32, #tpu.memory_space<vmem>>, vector<16xi32>,
            %eq3A_237 = vector.broadcast %select_n3A_91 : i32 to vector<16xi32>
            %eq3A_238 = arith.cmpi eq, %get3A_236, %eq3A_237 : vector<16xi32>
            %lt3A_239 = vector.broadcast %add3A_136 : i32 to vector<16xi32>
            %lt3A_240 = arith.cmpi slt, %add3A_229, %lt3A_239 : vector<16xi32>
            %and3A_241 = arith.andi %eq3A_238, %lt3A_240 : vector<16xi1>
            %select_n3A_242 = arith.select %and3A_241, %broadcast_in_dim3A_19, %broadcast_in_dim3A_17 : vector<16xi1>, vector<16xi32>
            %add3A_243 = arith.addi %scan3A_156, %select_n3A_242 : vector<16xi32>
            scf.yield %add3A_177, %add3A_199, %add3A_221, %add3A_243 : vector<16xi32>, vector<16xi32>, vector<16xi32>, vector<16xi32>
          }
          %scan3A_142 = arith.constant 64 : i32
          %add3A_143 = arith.addi %scan3A_141#0, %scan3A_141#1 : vector<16xi32>
          %add3A_144 = arith.addi %add3A_143, %scan3A_141#2 : vector<16xi32>
          %add3A_145 = arith.addi %add3A_144, %scan3A_141#3 : vector<16xi32>
          %reduce_sum3A_146 = arith.constant true
          %reduce_sum3A_147 = vector.broadcast %reduce_sum3A_146 : i1 to vector<16xi1>
          %reduce_sum3A_148 = tpu.scan <sum>, %add3A_145 masked %reduce_sum3A_147 : vector<16xi32>, vector<16xi1> -> vector<16xi32>
          %reduce_sum3A_149 = vector.extract %reduce_sum3A_148[15] : i32 from vector<16xi32>
          %lt3A_150 = arith.cmpi slt, %reduce_sum3A_149, %sub3A_95 : i32
          %select_n3A_151 = arith.select %lt3A_150, %add3A_136, %scan3A_132 : i32
          scf.yield %select_n3A_151 : i32
        }
        %scan3A_130 = arith.constant 12 : i32
        scf.yield %scan3A_129 : i32
      }
      %gt3A = arith.constant 0 : i32
      %gt3A_100 = arith.cmpi sgt, %select_n3A, %gt3A : i32
      %scan3A_101 = arith.constant 0 : i32
      %scan3A_102 = arith.constant 0 : i32
      %scan3A_103 = arith.constant 64 : i32
      %scan3A_104 = arith.addi %scan3A_102, %scan3A_103 : i32
      %scan3A_105 = arith.constant 1 : i32
      %scan3A_106 = scf.for %scan3A_124 = %scan3A_102 to %scan3A_104 step %scan3A_105 iter_args(%scan3A_125 = %scan3A_101) -> (i32)  : i32 {
        %mul3A_126 = arith.constant 4 : i32
        %mul3A_127 = arith.muli %scan3A_124, %mul3A_126 : i32
        %add3A_128 = arith.constant 0 : i32
        %add3A_129 = arith.addi %mul3A_127, %add3A_128 : i32
        %mul3A_130 = arith.constant 16 : i32
        %mul3A_131 = arith.muli %add3A_129, %mul3A_130 : i32
        %add3A_132 = vector.broadcast %mul3A_131 : i32 to vector<16xi32>
        %add3A_133 = arith.addi %iota3A, %add3A_132 : vector<16xi32>
        %mul3A_134 = arith.constant 4 : i32
        %mul3A_135 = arith.muli %scan3A_124, %mul3A_134 : i32
        %add3A_136 = arith.constant 0 : i32
        %add3A_137 = arith.addi %mul3A_135, %add3A_136 : i32
        %get3A = arith.index_cast %add3A_137 : i32 to index
        %get3A_138 = arith.constant 0 : index
        %get3A_139 = tpu.vector_load %arg4[%get3A, %get3A_138] {strides = array<i32>} : memref<256x16xi32, #tpu.memory_space<vmem>>, vector<16xi32>,
        %gt3A_140 = vector.broadcast %select_n3A_91 : i32 to vector<16xi32>
        %gt3A_141 = arith.cmpi sgt, %get3A_139, %gt3A_140 : vector<16xi32>
        %eq3A_142 = vector.broadcast %select_n3A_91 : i32 to vector<16xi32>
        %eq3A_143 = arith.cmpi eq, %get3A_139, %eq3A_142 : vector<16xi32>
        %le3A = vector.broadcast %cond3A_99 : i32 to vector<16xi32>
        %le3A_144 = arith.cmpi sle, %add3A_133, %le3A : vector<16xi32>
        %and3A_145 = arith.andi %eq3A_143, %le3A_144 : vector<16xi1>
        %or3A = arith.ori %gt3A_141, %and3A_145 : vector<16xi1>
        %and3A_146 = vector.broadcast %gt3A_100 : i1 to vector<16xi1>
        %and3A_147 = arith.andi %or3A, %and3A_146 : vector<16xi1>
        %select_n3A_148 = arith.select %and3A_147, %broadcast_in_dim3A_19, %broadcast_in_dim3A_17 : vector<16xi1>, vector<16xi32>
        %mul3A_149 = arith.constant 4 : i32
        %mul3A_150 = arith.muli %scan3A_124, %mul3A_149 : i32
        %add3A_151 = arith.constant 0 : i32
        %add3A_152 = arith.addi %mul3A_150, %add3A_151 : i32
        %swap3A = arith.index_cast %add3A_152 : i32 to index
        %swap3A_153 = arith.constant 0 : index
        %swap3A_154 = tpu.vector_load %arg5[%swap3A, %swap3A_153] {strides = array<i32>} : memref<256x16xi32, #tpu.memory_space<vmem>>, vector<16xi32>,
        tpu.vector_store %arg5[%swap3A, %swap3A_153], %select_n3A_148 {strides = array<i32>} : memref<256x16xi32, #tpu.memory_space<vmem>>, vector<16xi32>,
        %mul3A_155 = arith.constant 4 : i32
        %mul3A_156 = arith.muli %scan3A_124, %mul3A_155 : i32
        %add3A_157 = arith.constant 1 : i32
        %add3A_158 = arith.addi %mul3A_156, %add3A_157 : i32
        %mul3A_159 = arith.constant 16 : i32
        %mul3A_160 = arith.muli %add3A_158, %mul3A_159 : i32
        %add3A_161 = vector.broadcast %mul3A_160 : i32 to vector<16xi32>
        %add3A_162 = arith.addi %iota3A, %add3A_161 : vector<16xi32>
        %mul3A_163 = arith.constant 4 : i32
        %mul3A_164 = arith.muli %scan3A_124, %mul3A_163 : i32
        %add3A_165 = arith.constant 1 : i32
        %add3A_166 = arith.addi %mul3A_164, %add3A_165 : i32
        %get3A_167 = arith.index_cast %add3A_166 : i32 to index
        %get3A_168 = arith.constant 0 : index
        %get3A_169 = tpu.vector_load %arg4[%get3A_167, %get3A_168] {strides = array<i32>} : memref<256x16xi32, #tpu.memory_space<vmem>>, vector<16xi32>,
        %gt3A_170 = vector.broadcast %select_n3A_91 : i32 to vector<16xi32>
        %gt3A_171 = arith.cmpi sgt, %get3A_169, %gt3A_170 : vector<16xi32>
        %eq3A_172 = vector.broadcast %select_n3A_91 : i32 to vector<16xi32>
        %eq3A_173 = arith.cmpi eq, %get3A_169, %eq3A_172 : vector<16xi32>
        %le3A_174 = vector.broadcast %cond3A_99 : i32 to vector<16xi32>
        %le3A_175 = arith.cmpi sle, %add3A_162, %le3A_174 : vector<16xi32>
        %and3A_176 = arith.andi %eq3A_173, %le3A_175 : vector<16xi1>
        %or3A_177 = arith.ori %gt3A_171, %and3A_176 : vector<16xi1>
        %and3A_178 = vector.broadcast %gt3A_100 : i1 to vector<16xi1>
        %and3A_179 = arith.andi %or3A_177, %and3A_178 : vector<16xi1>
        %select_n3A_180 = arith.select %and3A_179, %broadcast_in_dim3A_19, %broadcast_in_dim3A_17 : vector<16xi1>, vector<16xi32>
        %mul3A_181 = arith.constant 4 : i32
        %mul3A_182 = arith.muli %scan3A_124, %mul3A_181 : i32
        %add3A_183 = arith.constant 1 : i32
        %add3A_184 = arith.addi %mul3A_182, %add3A_183 : i32
        %swap3A_185 = arith.index_cast %add3A_184 : i32 to index
        %swap3A_186 = arith.constant 0 : index
        %swap3A_187 = tpu.vector_load %arg5[%swap3A_185, %swap3A_186] {strides = array<i32>} : memref<256x16xi32, #tpu.memory_space<vmem>>, vector<16xi32>,
        tpu.vector_store %arg5[%swap3A_185, %swap3A_186], %select_n3A_180 {strides = array<i32>} : memref<256x16xi32, #tpu.memory_space<vmem>>, vector<16xi32>,
        %mul3A_188 = arith.constant 4 : i32
        %mul3A_189 = arith.muli %scan3A_124, %mul3A_188 : i32
        %add3A_190 = arith.constant 2 : i32
        %add3A_191 = arith.addi %mul3A_189, %add3A_190 : i32
        %mul3A_192 = arith.constant 16 : i32
        %mul3A_193 = arith.muli %add3A_191, %mul3A_192 : i32
        %add3A_194 = vector.broadcast %mul3A_193 : i32 to vector<16xi32>
        %add3A_195 = arith.addi %iota3A, %add3A_194 : vector<16xi32>
        %mul3A_196 = arith.constant 4 : i32
        %mul3A_197 = arith.muli %scan3A_124, %mul3A_196 : i32
        %add3A_198 = arith.constant 2 : i32
        %add3A_199 = arith.addi %mul3A_197, %add3A_198 : i32
        %get3A_200 = arith.index_cast %add3A_199 : i32 to index
        %get3A_201 = arith.constant 0 : index
        %get3A_202 = tpu.vector_load %arg4[%get3A_200, %get3A_201] {strides = array<i32>} : memref<256x16xi32, #tpu.memory_space<vmem>>, vector<16xi32>,
        %gt3A_203 = vector.broadcast %select_n3A_91 : i32 to vector<16xi32>
        %gt3A_204 = arith.cmpi sgt, %get3A_202, %gt3A_203 : vector<16xi32>
        %eq3A_205 = vector.broadcast %select_n3A_91 : i32 to vector<16xi32>
        %eq3A_206 = arith.cmpi eq, %get3A_202, %eq3A_205 : vector<16xi32>
        %le3A_207 = vector.broadcast %cond3A_99 : i32 to vector<16xi32>
        %le3A_208 = arith.cmpi sle, %add3A_195, %le3A_207 : vector<16xi32>
        %and3A_209 = arith.andi %eq3A_206, %le3A_208 : vector<16xi1>
        %or3A_210 = arith.ori %gt3A_204, %and3A_209 : vector<16xi1>
        %and3A_211 = vector.broadcast %gt3A_100 : i1 to vector<16xi1>
        %and3A_212 = arith.andi %or3A_210, %and3A_211 : vector<16xi1>
        %select_n3A_213 = arith.select %and3A_212, %broadcast_in_dim3A_19, %broadcast_in_dim3A_17 : vector<16xi1>, vector<16xi32>
        %mul3A_214 = arith.constant 4 : i32
        %mul3A_215 = arith.muli %scan3A_124, %mul3A_214 : i32
        %add3A_216 = arith.constant 2 : i32
        %add3A_217 = arith.addi %mul3A_215, %add3A_216 : i32
        %swap3A_218 = arith.index_cast %add3A_217 : i32 to index
        %swap3A_219 = arith.constant 0 : index
        %swap3A_220 = tpu.vector_load %arg5[%swap3A_218, %swap3A_219] {strides = array<i32>} : memref<256x16xi32, #tpu.memory_space<vmem>>, vector<16xi32>,
        tpu.vector_store %arg5[%swap3A_218, %swap3A_219], %select_n3A_213 {strides = array<i32>} : memref<256x16xi32, #tpu.memory_space<vmem>>, vector<16xi32>,
        %mul3A_221 = arith.constant 4 : i32
        %mul3A_222 = arith.muli %scan3A_124, %mul3A_221 : i32
        %add3A_223 = arith.constant 3 : i32
        %add3A_224 = arith.addi %mul3A_222, %add3A_223 : i32
        %mul3A_225 = arith.constant 16 : i32
        %mul3A_226 = arith.muli %add3A_224, %mul3A_225 : i32
        %add3A_227 = vector.broadcast %mul3A_226 : i32 to vector<16xi32>
        %add3A_228 = arith.addi %iota3A, %add3A_227 : vector<16xi32>
        %mul3A_229 = arith.constant 4 : i32
        %mul3A_230 = arith.muli %scan3A_124, %mul3A_229 : i32
        %add3A_231 = arith.constant 3 : i32
        %add3A_232 = arith.addi %mul3A_230, %add3A_231 : i32
        %get3A_233 = arith.index_cast %add3A_232 : i32 to index
        %get3A_234 = arith.constant 0 : index
        %get3A_235 = tpu.vector_load %arg4[%get3A_233, %get3A_234] {strides = array<i32>} : memref<256x16xi32, #tpu.memory_space<vmem>>, vector<16xi32>,
        %gt3A_236 = vector.broadcast %select_n3A_91 : i32 to vector<16xi32>
        %gt3A_237 = arith.cmpi sgt, %get3A_235, %gt3A_236 : vector<16xi32>
        %eq3A_238 = vector.broadcast %select_n3A_91 : i32 to vector<16xi32>
        %eq3A_239 = arith.cmpi eq, %get3A_235, %eq3A_238 : vector<16xi32>
        %le3A_240 = vector.broadcast %cond3A_99 : i32 to vector<16xi32>
        %le3A_241 = arith.cmpi sle, %add3A_228, %le3A_240 : vector<16xi32>
        %and3A_242 = arith.andi %eq3A_239, %le3A_241 : vector<16xi1>
        %or3A_243 = arith.ori %gt3A_237, %and3A_242 : vector<16xi1>
        %and3A_244 = vector.broadcast %gt3A_100 : i1 to vector<16xi1>
        %and3A_245 = arith.andi %or3A_243, %and3A_244 : vector<16xi1>
        %select_n3A_246 = arith.select %and3A_245, %broadcast_in_dim3A_19, %broadcast_in_dim3A_17 : vector<16xi1>, vector<16xi32>
        %mul3A_247 = arith.constant 4 : i32
        %mul3A_248 = arith.muli %scan3A_124, %mul3A_247 : i32
        %add3A_249 = arith.constant 3 : i32
        %add3A_250 = arith.addi %mul3A_248, %add3A_249 : i32
        %swap3A_251 = arith.index_cast %add3A_250 : i32 to index
        %swap3A_252 = arith.constant 0 : index
        %swap3A_253 = tpu.vector_load %arg5[%swap3A_251, %swap3A_252] {strides = array<i32>} : memref<256x16xi32, #tpu.memory_space<vmem>>, vector<16xi32>,
        tpu.vector_store %arg5[%swap3A_251, %swap3A_252], %select_n3A_246 {strides = array<i32>} : memref<256x16xi32, #tpu.memory_space<vmem>>, vector<16xi32>,
        %scan3A_254 = arith.constant 0 : i32
        scf.yield %scan3A_254 : i32
      }
      %scan3A_107 = arith.constant 64 : i32
      %dma_start3A_108 = arith.constant 0 : i32
      %dma_start3A_109 = arith.constant 0 : i32
      %dma_start3A_110 = tpu.memref_slice %arg3[%add3A, %dma_start3A_108, %dma_start3A_109] : memref<4x256x16xi32, #tpu.memory_space<hbm>> -> memref<1x256x16xi32, #tpu.memory_space<hbm>>
      %dma_start3A_111 = tpu.memref_squeeze %dma_start3A_110 : memref<1x256x16xi32, #tpu.memory_space<hbm>> -> memref<256x16xi32, #tpu.memory_space<hbm>>
      %dma_start3A_112 = arith.constant 0 : i32
      %dma_start3A_113 = arith.constant 0 : i32
      %dma_start3A_114 = tpu.memref_slice %arg3[%add3A, %dma_start3A_112, %dma_start3A_113] : memref<4x256x16xi32, #tpu.memory_space<hbm>> -> memref<1x256x16xi32, #tpu.memory_space<hbm>>
      %dma_start3A_115 = tpu.memref_squeeze %dma_start3A_114 : memref<1x256x16xi32, #tpu.memory_space<hbm>> -> memref<256x16xi32, #tpu.memory_space<hbm>>
      tpu.enqueue_dma source(%arg5 : memref<256x16xi32, #tpu.memory_space<vmem>>) target(%dma_start3A_115 : memref<256x16xi32, #tpu.memory_space<hbm>>) target_semaphore(%arg6 : memref<!tpu.dma_semaphore, #tpu.memory_space<semaphore_mem>>)
      %dma_wait3A_116 = arith.constant 0 : i32
      %dma_wait3A_117 = arith.constant 0 : i32
      %dma_wait3A_118 = tpu.memref_slice %arg3[%add3A, %dma_wait3A_116, %dma_wait3A_117] : memref<4x256x16xi32, #tpu.memory_space<hbm>> -> memref<1x256x16xi32, #tpu.memory_space<hbm>>
      %dma_wait3A_119 = tpu.memref_squeeze %dma_wait3A_118 : memref<1x256x16xi32, #tpu.memory_space<hbm>> -> memref<256x16xi32, #tpu.memory_space<hbm>>
      %dma_wait3A_120 = arith.constant 0 : i32
      %dma_wait3A_121 = arith.constant 0 : i32
      %dma_wait3A_122 = tpu.memref_slice %arg3[%add3A, %dma_wait3A_120, %dma_wait3A_121] : memref<4x256x16xi32, #tpu.memory_space<hbm>> -> memref<1x256x16xi32, #tpu.memory_space<hbm>>
      %dma_wait3A_123 = tpu.memref_squeeze %dma_wait3A_122 : memref<1x256x16xi32, #tpu.memory_space<hbm>> -> memref<256x16xi32, #tpu.memory_space<hbm>>
      tpu.wait_dma2 semaphore(%arg6 : memref<!tpu.dma_semaphore, #tpu.memory_space<semaphore_mem>>) src(%arg5 : memref<256x16xi32, #tpu.memory_space<vmem>>) dst(%dma_wait3A_123 : memref<256x16xi32, #tpu.memory_space<hbm>>)
    } else {
    }
    return
  }
}

module attributes {stable_mosaic.version = 14 : i64} {
  func.func @_score_key_kernel(%arg0: i32, %arg1: i32, %arg2: memref<1x8x512xi32, #tpu.memory_space<vmem>>, %arg3: memref<1x512x1024xf32, #tpu.memory_space<vmem>>, %arg4: memref<1x1024xf32, #tpu.memory_space<vmem>>, %arg5: memref<1x1xf32, #tpu.memory_space<vmem>>, %arg6: memref<1x8x512xi32, #tpu.memory_space<vmem>>, %arg7: memref<8x512xf32, #tpu.memory_space<vmem>>) attributes {dimension_semantics = [#tpu.dimension_semantics<arbitrary>, #tpu.dimension_semantics<arbitrary>], iteration_bounds = array<i64: 4, 8>, scalar_prefetch = 0 : i64, scratch_operands = 1 : i64, tpu.core_type = #tpu.core_type<tc>, window_params = [{transform_indices = @transform_0, window_bounds = array<i64: 1, 8, 512>}, {transform_indices = @transform_1, window_bounds = array<i64: 1, 512, 1024>}, {pipeline_mode = #tpu.pipeline_mode<synchronous>, transform_indices = @transform_2, window_bounds = array<i64: 1, 1024>}, {pipeline_mode = #tpu.pipeline_mode<synchronous>, transform_indices = @transform_3, window_bounds = array<i64: 1, 1>}, {transform_indices = @transform_4, window_bounds = array<i64: 1, 8, 512>}]} {
    %get3A = arith.constant 0 : index
    %get3A_0 = arith.constant 0 : index
    %get3A_1 = arith.constant 0 : index
    %get3A_2 = vector.load %arg3[%get3A, %get3A_0, %get3A_1] : memref<1x512x1024xf32, #tpu.memory_space<vmem>>, vector<1x512x1024xf32>
    %get3A_3 = vector.shape_cast %get3A_2 : vector<1x512x1024xf32> to vector<512x1024xf32>
    %get3A_4 = arith.constant 0 : index
    %get3A_5 = arith.constant 0 : index
    %get3A_6 = vector.load %arg4[%get3A_4, %get3A_5] : memref<1x1024xf32, #tpu.memory_space<vmem>>, vector<1x1024xf32>
    %convert_element_type3A = arith.truncf %get3A_3 : vector<512x1024xf32> to vector<512x1024xbf16>
    %reshape3A = vector.shape_cast %get3A_6 : vector<1x1024xf32> to vector<1024x1xf32>
    %convert_element_type3A_7 = arith.truncf %reshape3A : vector<1024x1xf32> to vector<1024x1xbf16>
    %dot_general3A = arith.constant dense<0.000000e+00> : vector<512x1xf32>
    %dot_general3A_8 = tpu.matmul %convert_element_type3A, %convert_element_type3A_7, %dot_general3A {dimension_numbers = #tpu.dot_dimension_numbers<[1], [0], [0], [1], [0, 0, 1, 1], [], []>, transpose_lhs_hint = false} : vector<512x1024xbf16>, vector<1024x1xbf16>, vector<512x1xf32> -> vector<512x1xf32>
    %reshape3A_9 = vector.shape_cast %dot_general3A_8 : vector<512x1xf32> to vector<1x512xf32>
    %swap3A = arith.index_cast %arg1 : i32 to index
    %swap3A_10 = arith.constant 0 : index
    %swap3A_11 = vector.load %arg7[%swap3A, %swap3A_10] : memref<8x512xf32, #tpu.memory_space<vmem>>, vector<1x512xf32>
    tpu.vector_store %arg7[%swap3A, %swap3A_10], %reshape3A_9 {strides = array<i32>} : memref<8x512xf32, #tpu.memory_space<vmem>>, vector<1x512xf32>,
    %eq3A = arith.constant 7 : i32
    %eq3A_12 = arith.cmpi eq, %arg1, %eq3A : i32
    %convert_element_type3A_13 = arith.extui %eq3A_12 : i1 to i32
    %cond3A = arith.constant 0 : i32
    %cond3A_14 = arith.cmpi ne, %convert_element_type3A_13, %cond3A : i32
    scf.if %cond3A_14 {
      %get3A_15 = arith.constant 0 : index
      %get3A_16 = arith.constant 0 : index
      %get3A_17 = arith.constant 0 : index
      %get3A_18 = vector.load %arg2[%get3A_15, %get3A_16, %get3A_17] : memref<1x8x512xi32, #tpu.memory_space<vmem>>, vector<1x8x512xi32>
      %get3A_19 = vector.shape_cast %get3A_18 : vector<1x8x512xi32> to vector<8x512xi32>
      %ne3A = arith.constant 0 : i32
      %ne3A_20 = vector.broadcast %ne3A : i32 to vector<8x512xi32>
      %ne3A_21 = arith.cmpi ne, %get3A_19, %ne3A_20 : vector<8x512xi32>
      %get3A_22 = arith.constant 0 : index
      %get3A_23 = arith.constant 0 : index
      %get3A_24 = vector.load %arg7[%get3A_22, %get3A_23] : memref<8x512xf32, #tpu.memory_space<vmem>>, vector<8x512xf32>
      %get3A_25 = arith.constant 0 : index
      %get3A_26 = arith.constant 0 : index
      %get3A_27 = vector.load %arg5[%get3A_25, %get3A_26] : memref<1x1xf32, #tpu.memory_space<vmem>>, vector<1x1xf32>
      %get3A_28 = vector.extract %get3A_27[0, 0] : f32 from vector<1x1xf32>
      %add3A = vector.broadcast %get3A_28 : f32 to vector<8x512xf32>
      %add3A_29 = arith.addf %get3A_24, %add3A : vector<8x512xf32>
      %bitcast_convert_type3A = tpu.bitcast %add3A_29 : vector<8x512xf32> -> vector<8x512xi32>
      %ge3A = arith.constant 0 : i32
      %ge3A_30 = vector.broadcast %ge3A : i32 to vector<8x512xi32>
      %ge3A_31 = arith.cmpi sge, %bitcast_convert_type3A, %ge3A_30 : vector<8x512xi32>
      %xor3A = arith.constant 2147483647 : i32
      %xor3A_32 = vector.broadcast %xor3A : i32 to vector<8x512xi32>
      %xor3A_33 = arith.xori %bitcast_convert_type3A, %xor3A_32 : vector<8x512xi32>
      %select_n3A = arith.select %ge3A_31, %bitcast_convert_type3A, %xor3A_33 : vector<8x512xi1>, vector<8x512xi32>
      %jit3A = arith.constant -2147483648 : i32
      %broadcast_in_dim3A = vector.broadcast %jit3A : i32 to vector<8x512xi32>
      %select_n3A_34 = arith.select %ne3A_21, %select_n3A, %broadcast_in_dim3A : vector<8x512xi1>, vector<8x512xi32>
      %swap3A_35 = arith.constant 0 : index
      %swap3A_36 = arith.constant 0 : index
      %swap3A_37 = arith.constant 0 : index
      %swap3A_38 = vector.load %arg6[%swap3A_35, %swap3A_36, %swap3A_37] : memref<1x8x512xi32, #tpu.memory_space<vmem>>, vector<1x8x512xi32>
      %swap3A_39 = vector.shape_cast %swap3A_38 : vector<1x8x512xi32> to vector<8x512xi32>
      %swap3A_40 = vector.shape_cast %select_n3A_34 : vector<8x512xi32> to vector<1x8x512xi32>
      tpu.vector_store %arg6[%swap3A_35, %swap3A_36, %swap3A_37], %swap3A_40 {strides = array<i32>} : memref<1x8x512xi32, #tpu.memory_space<vmem>>, vector<1x8x512xi32>,
    } else {
    }
    return
  }
  func.func @transform_0(%arg0: i32, %arg1: i32) -> (i32, i32, i32) {
    %c0_i32 = arith.constant 0 : i32
    %c0_i32_0 = arith.constant 0 : i32
    %c0_i32_1 = arith.constant 0 : i32
    return %arg0, %c0_i32, %c0_i32_0 : i32, i32, i32
  }
  func.func @transform_1(%arg0: i32, %arg1: i32) -> (i32, i32, i32) {
    %c0_i32 = arith.constant 0 : i32
    %c0_i32_0 = arith.constant 0 : i32
    return %arg0, %arg1, %c0_i32 : i32, i32, i32
  }
  func.func @transform_2(%arg0: i32, %arg1: i32) -> (i32, i32) {
    %c0_i32 = arith.constant 0 : i32
    %c0_i32_0 = arith.constant 0 : i32
    %c0_i32_1 = arith.constant 0 : i32
    return %c0_i32, %c0_i32_0 : i32, i32
  }
  func.func @transform_3(%arg0: i32, %arg1: i32) -> (i32, i32) {
    %c0_i32 = arith.constant 0 : i32
    %c0_i32_0 = arith.constant 0 : i32
    %c0_i32_1 = arith.constant 0 : i32
    return %c0_i32, %c0_i32_0 : i32, i32
  }
  func.func @transform_4(%arg0: i32, %arg1: i32) -> (i32, i32, i32) {
    %c0_i32 = arith.constant 0 : i32
    %c0_i32_0 = arith.constant 0 : i32
    %c0_i32_1 = arith.constant 0 : i32
    return %arg0, %c0_i32, %c0_i32_0 : i32, i32, i32
  }
}

</mosaic_0001>

<sc_bundles>
// kernel: kernel.4.cloned.1.call-start
scs
__scs_entry_jumppad:
0x0: {  	(pc) =	sbr.rel $0x88, $3  }
0x1: {  	(tag) =	ssettag $0x0;
	lr =	simm.s32 $0x1  }
0x2: {  	[smem:$0x3F9D] =	sst lr;
	_ =	strace $0xD0000000  }
0x3: {  	_ = 	snop  }
0x4: {  	_ = 	snop  }
0x5: {  	_ = 	snop  }
0x6: {  	_ = 	snop  }
0x7: {  	_ = 	snop  }
__scs_overlays_trampoline_lowered:
0x8: {  	[smem:$0x3FAC] =	sst s0  }
0x9: {  	[smem:$0x3FAD] =	sst s1  }
0xa: {  	[smem:$0x3FAE] =	sst s2  }
0xb: {  	[smem:$0x3FAF] =	sst s3  }
0xc: {  	[smem:$0x3FB0] =	sst s4  }
0xd: {  	[smem:$0x3FB1] =	sst s5  }
0xe: {  	[smem:$0x3FB2] =	sst s6  }
0xf: {  	[smem:$0x3FB3] =	sst s7  }
0x10: {  	[smem:$0x3FB4] =	sst s8  }
0x11: {  	[smem:$0x3FB5] =	sst s9;
	s0 =	simm.s32 @!p0 $0x0  }
0x12: {  	s1 =	sld [smem:$0x3F9B];
	s0 =	simm.s32 @p0 $0x1  }
0x13: {  	[smem:$0x3FB6] =	sst s0;
	s0 =	simm.s32 @!p1 $0x0  }
0x14: {  	s2 =	sld [smem:$0x3F9A];
	s0 =	simm.s32 @p1 $0x1  }
0x15: {  	[smem:$0x3FB7] =	sst s0;
	s0 =	simm.s32 @!p2 $0x0  }
0x16: {  	s3 =	sld [smem:$0x3FDB];
	s0 =	simm.s32 @p2 $0x1  }
0x17: {  	s4 =	simm.s32 $0x1BF5;
	[smem:$0x3FB9] =	sst s0  }
0x18: {  	s0 =	sld [smem:$0x3F9C];
	_ =	swait.ge [sflag:s4], $0x0  }
0x19: {  	s7 =	sld [smem:$0x3F9D]  }
0x1a: {  	s8 =	sadd.s32 $0xFFFFE003, lr  }
0x1b: {  	s9 =	sadd.s32 $0xFFFFFEF7, lr;
	s5 =	simm.s32 $0xFFFFFFFF;
	p2 =	slt.u32 s8, $0xFFFFF086  }
0x1c: {  	p1 =	slt.u32 s9, $0xF7A;
	s5 =	simm.s32 @!p2 $0x0  }
0x1d: {  	s5 =	simm.s32 @p1 $0x1;
	p0 =	seq.s32 s7, s2  }
0x1e: {  	s7 =	smul.u32 @!p0 $0xF7A, s2;
	p2 =	seq.s32 @!p0 s5, $0x0  }
0x1f: {  	s9 =	smul.u32 $0xF7A, s1;
	s8 =	simm.s32 @!p0 $0x1BF5;
	p2 =	por !p2, p0  }
0x20: {  	[sflag:s8] =	ssyncset.s32 @!p0 $0xFFFFF086;
	s6 =	sadd.s32 @!p0 s3, s7;
	s7 =	simm.s32 @!p0 $0x108  }
0x21: {  	s3 =	sadd.s32 s3, s9;
	s6 =	sadd.s32 @!p0 $0x88, s6;
	s7 =	simm.s32 @p2 $0x1082  }
0x22: {  	[simem:s7], [sflag:s8] =	dma.local @!p0 [hbm:s6], $0xF7A  }
0x23: {  	s9 =	sor.u32 $0xD0000000, s2;
	s6 =	simm.s32 $0x108;
	_ =	swait.ge @!p0 [sflag:s8], $0x0  }
0x24: {  	s3 =	sadd.s32 $0x88, s3;
	s6 =	simm.s32 @!p1 $0x1082;
	[sflag:s4] =	ssyncset.s32 $0xFFFFF086  }
0x25: {  	[simem:s6], [sflag:s4] =	dma.local [hbm:s3], $0xF7A  }
0x26: {  	[smem:$0x3F9D] =	sst s1;
	(tag) =	ssettag s2;
	_ =	strace s9  }
0x27: {  	s1 =	sld [smem:$0x3FAD]  }
0x28: {  	s2 =	sld [smem:$0x3FAE]  }
0x29: {  	s4 =	sld [smem:$0x3FB0]  }
0x2a: {  	p0 =	seq.s32 s5, $0x0;
	s5 =	sld [smem:$0x3FB1]  }
0x2b: {  	s6 =	sld [smem:$0x3FB2]  }
0x2c: {  	s7 =	sld [smem:$0x3FB3]  }
0x2d: {  	s3 =	simm.s32 $0x108;
	s8 =	sld [smem:$0x3FB4]  }
0x2e: {  	s3 =	simm.s32 @!p0 $0x1082;
	s9 =	sld [smem:$0x3FB5]  }
0x2f: {  	lr =	sadd.s32 s0, s3;
	s0 =	sld [smem:$0x3FAC]  }
0x30: {  	s3 =	sld [smem:$0x3FAF]  }
0x31: {  	[smem:$0x3FB8] =	sst s10  }
0x32: {  	s10 =	sld [smem:$0x3FB6];
	_ =	sdelay $0x3  }
0x33: {  	p0 =	seq.s32 s10, $0x1;
	s10 =	sld [smem:$0x3FB8];
	_ =	sdelay $0x3  }
0x34: {  	[smem:$0x3FB8] =	sst s10  }
0x35: {  	s10 =	sld [smem:$0x3FB7];
	_ =	sdelay $0x3  }
0x36: {  	p1 =	seq.s32 s10, $0x1;
	s10 =	sld [smem:$0x3FB8];
	_ =	sdelay $0x3  }
0x37: {  	[smem:$0x3FB8] =	sst s10  }
0x38: {  	s10 =	sld [smem:$0x3FB9]  }
0x39: {  	_ = 	snop;
	(pc) =	sbr.ind lr, $3  }
0x3a: {  	_ = 	snop  }
0x3b: {  	_ = 	snop  }
0x3c: {  	p2 =	seq.s32 s10, $0x1;
	s10 =	sld [smem:$0x3FB8]  }
0x3d: {  	_ =	shalt  }
0x3e: {  	_ =	shalt  }
0x3f: {  	_ =	shalt  }
0x40: {  	_ =	shalt  }
0x41: {  	_ =	shalt  }
0x42: {  	_ =	shalt  }
0x43: {  	_ =	shalt  }
0x44: {  	_ =	shalt  }
0x45: {  	_ =	shalt  }
0x46: {  	_ =	shalt  }
0x47: {  	_ =	shalt  }
0x48: {  	_ =	shalt  }
0x49: {  	_ =	shalt  }
0x4a: {  	_ =	shalt  }
0x4b: {  	_ =	shalt  }
0x4c: {  	_ =	shalt  }
0x4d: {  	_ =	shalt  }
0x4e: {  	_ =	shalt  }
0x4f: {  	_ =	shalt  }
0x50: {  	_ =	shalt  }
0x51: {  	_ =	shalt  }
0x52: {  	_ =	shalt  }
0x53: {  	_ =	shalt  }
0x54: {  	_ =	shalt  }
0x55: {  	_ =	shalt  }
0x56: {  	_ =	shalt  }
0x57: {  	_ =	shalt  }
0x58: {  	_ =	shalt  }
0x59: {  	_ =	shalt  }
0x5a: {  	_ =	shalt  }
0x5b: {  	_ =	shalt  }
0x5c: {  	_ =	shalt  }
0x5d: {  	_ =	shalt  }
0x5e: {  	_ =	shalt  }
0x5f: {  	_ =	shalt  }
0x60: {  	_ =	shalt  }
0x61: {  	_ =	shalt  }
0x62: {  	_ =	shalt  }
0x63: {  	_ =	shalt  }
0x64: {  	_ =	shalt  }
0x65: {  	_ =	shalt  }
0x66: {  	_ =	shalt  }
0x67: {  	_ =	shalt  }
0x68: {  	_ =	shalt  }
0x69: {  	_ =	shalt  }
0x6a: {  	_ =	shalt  }
0x6b: {  	_ =	shalt  }
0x6c: {  	_ =	shalt  }
0x6d: {  	_ =	shalt  }
0x6e: {  	_ =	shalt  }
0x6f: {  	_ =	shalt  }
0x70: {  	_ =	shalt  }
0x71: {  	_ =	shalt  }
0x72: {  	_ =	shalt  }
0x73: {  	_ =	shalt  }
0x74: {  	_ =	shalt  }
0x75: {  	_ =	shalt  }
0x76: {  	_ =	shalt  }
0x77: {  	_ =	shalt  }
0x78: {  	_ =	shalt  }
0x79: {  	_ =	shalt  }
0x7a: {  	_ =	shalt  }
0x7b: {  	_ =	shalt  }
0x7c: {  	_ =	shalt  }
0x7d: {  	_ =	shalt  }
0x7e: {  	_ =	shalt  }
0x7f: {  	_ =	shalt  }
0x80: {  	_ =	shalt  }
0x81: {  	_ =	shalt  }
0x82: {  	_ =	shalt  }
0x83: {  	_ =	shalt  }
0x84: {  	_ =	shalt  }
0x85: {  	_ =	shalt  }
0x86: {  	_ =	shalt  }
0x87: {  	_ =	shalt  }
.Lfunc_end0:
.L_simem_size_0:
called_computation_lowered:
.L_overlay_start_0:
0x88: {  	s2 =	sld [smem:$0x3FD9]  }
0x89: {  	s3 =	sld [smem:$0x3FFE];
	_ =	sdelay $0x1  }
0x8a: {  	s1 =	srdreg.scid  }
0x8b: {  	s0 =	sand.u32 $0x1, s1  }
0x8c: {  	s16 =	sshll.u32 s0, $0xA;
	s2 =	sadd.s32 s3, s2  }
0x8d: {  	s2 =	sadd.s32 s2, s16  }
0x8e: {  	[smem:$0x3FC4] =	sst s2  }
0x8f: {  	_ = 	snop  }
0x90: {  	(tm) =	ssettm $0x1  }
0x91: {  	s17 =	sld [smem:$0x3FFB];
	_ =	sdelay $0x3  }
0x92: {  	_ =	strace s17  }
0x93: {  	s2 =	sld [smem:$0x3FFC];
	_ =	sdelay $0x3  }
0x94: {  	_ =	strace s2  }
0x95: {  	s2 =	sld [smem:$0x3FFD];
	_ =	sdelay $0x3  }
0x96: {  	_ =	strace s2  }
0x97: {  	_ =	strace $0x8FFFFFFF  }
0x98: {  	s18 =	sld [smem:$0x3FDB];
	_ =	sdelay $0x1  }
0x99: {  	s19 =	simm.s32 $_scs_section_size  }
0x9a: {  	s4 =	simm.s32 $_size__tile_overlayer_lowered;
	s5 =	simm.s32 $_tile_overlayer_lowered  }
0x9b: {  	s22 =	simm.s32 $0x1BFF;
	s21 =	sshll.u32 s5, $0x1;
	s2 =	sadd.s32 s19, s18  }
0x9c: {  	s6 =	simm.s32 $0x0;
	s20 =	sshll.u32 s4, $0x1;
	s4 =	sadd.s32 s21, s2  }
0x9d: {  	[timem:s6], [sflag:s22] =	dma.local [hbm:s4], s20  }
0x9e: {  	_ =	swait.ge [sflag:s22], s20  }
0x9f: {  	s3 =	ssub.s32 $0x0, s20;
	[sflag:s22] =	ssyncset.done $0x0  }
0xa0: {  	[sflag:s22] =	ssyncadd.s32 s3;
	_ =	sdelay $0x1  }
0xa1: {  	s23 =	simm.s32 $0x1B8B  }
0xa2: {  	_ =	swait.ge [sflag:s23], $0x1  }
0xa3: {  	[sflag:s23] =	ssyncset.done $0x0  }
0xa4: {  	s25 =	simm.s32 $0x1B8E;
	s24 =	sld [smem:$0x3FFE];
	[sflag:s23] =	ssyncadd.s32 $0xFFFFFFFF  }
0xa5: {  	s26 =	simm.s32 $execute0_lowered;
	[smem:$0x3FD2] =	sst s25  }
0xa6: {  	s4 =	sshll.u32 s26, $0x1;
	_ =	strace $0x80000046;
	[dreg:$0x1] =	wrdreg $0xFFFFFFFF  }
0xa7: {  	s28 =	simm.s32 $_size_execute0_lowered;
	s2 =	sadd.s32 s2, s4;
	[dreg:$0x0] =	wrdreg $0x0  }
0xa8: {  	s4 =	sshll.u32 s28, $0x1;
	[dreg:$0x2] =	wrdreg s2  }
0xa9: {  	[dreg:$0x3] =	wrdreg s4  }
0xaa: {  	[dreg:$0x4] =	wrdreg $0xC0  }
0xab: {  	_ =	task [dreg:s6], $0x5FFFF  }
0xac: {  	[dreg:$0x1] =	wrdreg $0xFFFFFFFF  }
0xad: {  	[dreg:$0x0] =	wrdreg $0x60  }
0xae: {  	[dreg:$0x2] =	wrdreg s24  }
0xaf: {  	[dreg:$0x3] =	wrdreg $0x9  }
0xb0: {  	_ =	task.clear_ibuf [dreg:s6], $0x4FFFF;
	_ =	strace $0x90000046  }
0xb1: {  	s29 =	simm.s32 $0x9;
	_ =	strace $0x80000048  }
0xb2: {  	_ =	swait.ge [sflag:s29], $0x1  }
0xb3: {  	[sflag:s29] =	ssyncadd.s32 $0xFFFFFFFF  }
0xb4: {  	_ =	strace $0x90000048  }
0xb5: {  	_ =	sfence  }
0xb6: {  	s30 =	sld [smem:$0x0];
	_ =	sdelay $0x2  }
0xb7: {  	s31 =	sshll.u32 s1, $0xD;
	s1 =	sshrl.u32 s1, $0x2  }
0xb8: {  	s3 =	sand.u32 $0x4000, s31;
	s1 =	sadd.s32 s1, s30  }
0xb9: {  	s0 =	sor.u32 s3, s0;
	s1 =	sshll.u32 s1, $0x11  }
0xba: {  	s0 =	sor.u32 s1, s0  }
0xbb: {  	s0 =	sadd.s32 $0x8F2B, s0  }
0xbc: {  	[sflag:s0] =	ssyncadd.remote.s32 $0x1  }
0xbd: {  	_ =	sfence.sel $0xFFFF  }
0xbe: {  	[dreg:$0x0] =	wrdreg $0xFFFFFFFF;
	(pc) =	sbr.abs _section_cstart, $3  }
0xbf: {  	[dreg:$0x1] =	wrdreg $0xFFFFFFFF  }
0xc0: {  	_ =	task.clear_ibuf [dreg:s6], $0x2FFFF;
	_ =	strace $0x9FFFFFFF  }
0xc1: {  	(tm) =	ssettm $0x7FFFFFFF  }
tec
execute0_lowered:
.L_overlay_start_1:
0x0: {  	(tag) =	ssettag $0x1  }
0x1: {  	s1 =	stileid.u32  }
0x2: {  	p0 =	sgt.u32 s1, $0x1  }
.Ltmp0:
0x3: {  	_ = 	snop;
	(pc) =	sbr.rel @p0 .LBB2_18-.Ltmp0, $4  }
0x4: {  	_ = 	snop  }
0x5: {  	s3 =	rddreg [dreg:$0x0];
	s2 =	simm.s32 $0x0  }
0x6: {  	[smem:$0x7FF] =	sst s2  }
0x7: {  	s0 =	rddreg [dreg:$0x1];
	_ =	strace $0x80000047  }
0x8: {  	s4 =	srdreg.scid;
	s6 =	sshll.u32 s1, $0xC  }
0x9: {  	s8 =	sadd.s32 $0x600, s3;
	s9 =	simm.s32 $0x60000000;
	s4 =	sand.u32 $0x1, s4  }
0xa: {  	s10 =	simm.s32 $0x8000;
	s5 =	sshll.u32 s4, $0xD;
	s4 =	ssub.s32 $0x2, s4  }
0xb: {  	s11 =	simm.s32 $0x800;
	s5 =	sadd.s32 s6, s5;
	s7 =	sshrl.u32 s4, $0x1  }
0xc: {  	s12 =	simm.s32 $0x0;
	s6 =	sadd.s32 s5, s3;
	s31 =	ssub.s32 s4, s7  }
0xd: {  	s4 =	sadd.s32 s8, s5;
	s7 =	simm.s32 $0x20000000;
	s8 =	simm.s32 $0x40000000  }
0xe: {  	v0 =	vimm.s32 $0x0;
	vm0 =	vmxor vm0, vm0;
	v1 =	vlaneseq.u32;
	s3 =	sadd.s32 $0x4600, s6;
	s5 =	smax.u32 s31, $0x1;
	s6 =	simm.s32 $0x1  }
.LBB2_2:
0xf: {  	s13 =	simm.s32 $0x0  }
0x10: {  	[tilespmem:s13], [sflag:$0x1] =	stream.linear.gather [hbm4b:s4+s13], $0x8000, $0x38;
	[tilespmem:$0x10000] =	vst v63  }
0x11: {  	_ =	swait.ge [sflag:s6], $0x8000  }
0x12: {  	[sflag:s6] =	ssyncset.done $0x0  }
0x13: {  	s30 =	simm.s32 $0x0;
	[sflag:s6] =	ssyncadd.s32 $0xFFFF8000  }
0x14: {  	v2 =	vld [tilespmem:s30+$0x180]  }
0x15: {  	v3 =	vld [tilespmem:s30+$0x100]  }
0x16: {  	v4 =	vld [tilespmem:s30+$0x80]  }
0x17: {  	v5 =	vld [tilespmem:s30+$0x0];
	_ =	sdelay $0x2  }
0x18: {  	vm3 =	vne.s32 v2, $0x80000000  }
0x19: {  	s31 =	simm.s32 $0x200;
	vm4 =	vne.s32 v3, $0x80000000;
	vm2 =	vgt.s32 v3, $0xFFFFFFFF;
	vm1 =	vgt.s32 v2, $0xFFFFFFFF  }
0x1a: {  	v2 =	vld [tilespmem:s31+$0x180];
	vm5 =	vne.s32 v5, $0x80000000;
	vm6 =	vne.s32 v4, $0x80000000;
	vm7 =	vgt.s32 v4, $0xFFFFFFFF  }
0x1b: {  	v3 =	vld [tilespmem:s31+$0x100];
	vm8 =	vgt.s32 v5, $0xFFFFFFFF;
	v7 =	vsel vm4, $0x1, v0;
	v6 =	vsel vm3, $0x1, v0  }
0x1c: {  	v4 =	vld [tilespmem:s31+$0x80];
	v8 =	vsel vm5, $0x1, v0;
	v9 =	vsel vm8, $0x1, v0;
	v10 =	vsel vm6, $0x1, v0  }
0x1d: {  	s13 =	simm.s32 $0x1000;
	v5 =	vld [tilespmem:s31+$0x0];
	v11 =	vadd.s32 v8, v0;
	v8 =	vadd.s32 v9, v0;
	v9 =	vsel vm7, $0x1, v0  }
.LBB2_3:
0x1e: {  	p0 =	sne.s32 s13, $0x1F800;
	v10 =	vadd.s32 v10, v11;
	v8 =	vadd.s32 v9, v8;
	v9 =	vsel vm2, $0x1, v0  }
0x1f: {  	v7 =	vadd.s32 v7, v10;
	v8 =	vadd.s32 v9, v8;
	v9 =	vsel vm1, $0x1, v0  }
0x20: {  	vm3 =	vne.s32 v2, $0x80000000;
	v11 =	vadd.s32 v6, v7;
	v8 =	vadd.s32 v9, v8  }
.Ltmp1:
0x21: {  	s14 =	sshra.s32 s13, $0x2;
	vm1 =	vgt.s32 v2, $0xFFFFFFFF;
	vm4 =	vne.s32 v3, $0x80000000;
	vm2 =	vgt.s32 v3, $0xFFFFFFFF;
	(pc) =	sbr.rel @p0 .LBB2_3-.Ltmp1, $4  }
0x22: {  	vm6 =	vne.s32 v4, $0x80000000;
	vm7 =	vgt.s32 v4, $0xFFFFFFFF;
	v2 =	vld [tilespmem:s14+$0x180];
	vm5 =	vne.s32 v5, $0x80000000  }
0x23: {  	v6 =	vsel vm3, $0x1, v0;
	v7 =	vsel vm4, $0x1, v0;
	vm8 =	vgt.s32 v5, $0xFFFFFFFF;
	v3 =	vld [tilespmem:s14+$0x100]  }
0x24: {  	v10 =	vsel vm6, $0x1, v0;
	v9 =	vsel vm5, $0x1, v0;
	v12 =	vsel vm8, $0x1, v0;
	v4 =	vld [tilespmem:s14+$0x80]  }
0x25: {  	s13 =	sadd.s32 $0x800, s13;
	v11 =	vadd.s32 v9, v11;
	v8 =	vadd.s32 v12, v8;
	v9 =	vsel vm7, $0x1, v0;
	v5 =	vld [tilespmem:s14+$0x0]  }
0x26: {  	_ =	sdelay $0x2  }
0x27: {  	v10 =	vadd.s32 v10, v11  }
0x28: {  	v7 =	vadd.s32 v7, v10;
	vm3 =	vne.s32 v5, $0x80000000  }
0x29: {  	v6 =	vadd.s32 v6, v7;
	vm4 =	vne.s32 v4, $0x80000000;
	v53 =	vsel vm3, $0x1, v0  }
0x2a: {  	v54 =	vsel vm4, $0x1, v0;
	vm3 =	vne.s32 v3, $0x80000000;
	v6 =	vadd.s32 v53, v6  }
0x2b: {  	vm15 =	vne.s32 v2, $0x80000000;
	v55 =	vsel vm3, $0x1, v0;
	v6 =	vadd.s32 v54, v6  }
0x2c: {  	v56 =	vsel vm15, $0x1, v0;
	v6 =	vadd.s32 v55, v6  }
0x2d: {  	v6 =	vadd.s32 v56, v6  }
0x2e: {  	(xrf0) =	vadd.scan.msk.s32 $0xffff, v6  }
0x2f: {  	v57 =	vadd.s32 v9, v8;
	v58 =	vsel vm2, $0x1, v0  }
0x30: {  	v59 =	vsel vm1, $0x1, v0;
	vm1 =	vgt.s32 v5, $0xFFFFFFFF;
	v6 =	vadd.s32 v58, v57  }
0x31: {  	vm2 =	vgt.s32 v4, $0xFFFFFFFF;
	v61 =	vsel vm1, $0x1, v0;
	v60 =	vadd.s32 v59, v6  }
0x32: {  	v62 =	vsel vm2, $0x1, v0;
	vm1 =	vgt.s32 v3, $0xFFFFFFFF;
	v3 =	vadd.s32 v61, v60  }
0x33: {  	vm2 =	vgt.s32 v2, $0xFFFFFFFF;
	v2 =	vadd.s32 v62, v3;
	v3 =	vsel vm1, $0x1, v0  }
0x34: {  	v2 =	vadd.s32 v3, v2;
	v3 =	vsel vm2, $0x1, v0;
	v63, _, _ =	vpop (xrf0)  }
0x35: {  	v2 =	vadd.s32 v3, v2;
	(v2sf) =	vpush v63, $0xF  }
0x36: {  	(xrf0) =	vadd.scan.msk.s32 $0xffff, v2;
	_ =	sdelay $0x5  }
0x37: {  	v2, _, _ =	vpop (xrf0)  }
0x38: {  	(v2sf) =	vpush v2, $0xF;
	_ =	sdelay $0x6  }
0x39: {  	s13 =	spop (v2sf)  }
0x3a: {  	s14 =	sadd.s32 $0x1, s13;
	p0 =	slt.u32 s13, $0x7FFFFFFF;
	s13 =	simm.s32 $0x1  }
0x3b: {  	s13 =	simm.s32 @!p0 $0x0;
	s15 =	sshra.s32 s14, $0x1F  }
0x3c: {  	s29 =	sand.u32 $0x1, s14;
	s13 =	sadd.s32 s13, s15  }
0x3d: {  	p1 =	seq.s32 s29, $0x1;
	p6 =	sne.s32 s13, $0x1  }
0x3e: {  	s30 =	sshrl.u32 s14, $0x1F;
	p0 =	por !p6, !p1  }
0x3f: {  	s13 =	sadd.s32 s30, s14;
	s14 =	simm.s32 $0x1;
	p0 =	por !p0, !p0  }
0x40: {  	s13 =	sshra.s32 s13, $0x1;
	s14 =	simm.s32 @!p0 $0x0  }
0x41: {  	s31 =	spop (v2sf);
	s13 =	ssub.s32 s13, s14  }
0x42: {  	s14 =	simm.s32 $0x80000000;
	p0 =	slt.s32 s31, s13  }
0x43: {  	s15 =	simm.s32 $0x0;
	s14 =	simm.s32 @!p0 $0x0  }
.LBB2_5:
0x44: {  	s17 =	simm.s32 $0x0  }
0x45: {  	v6 =	vld [tilespmem:s17+$0x180]  }
0x46: {  	s16 =	sshll.u32 s15, $0x1  }
0x47: {  	s18 =	sshrl.u32 s7, s16;
	v8 =	vld [tilespmem:s17+$0x100]  }
0x48: {  	s19 =	sshrl.u32 s8, s16;
	s20 =	sshrl.u32 s9, s16;
	v9 =	vld [tilespmem:s17+$0x80];
	s18 =	sadd.s32 s14, s18  }
0x49: {  	v5 =	vimm.s32 $0x0;
	v7 =	vimm.s32 $0x0;
	v10 =	vld [tilespmem:s17+$0x0];
	s19 =	sadd.s32 s14, s19;
	s20 =	sadd.s32 s14, s20;
	v2 =	vmov s18  }
0x4a: {  	v3 =	vmov s19;
	v4 =	vmov s20;
	vm2 =	vge.s32 v6, v2  }
0x4b: {  	s17 =	simm.s32 $0x800;
	vm3 =	vge.s32 v6, v3;
	vm1 =	vge.s32 v6, v4;
	v6 =	vimm.s32 $0x0  }
.LBB2_6:
0x4c: {  	p0 =	sne.s32 s17, $0x1F800;
	vm4 =	vge.s32 v8, v2;
	vm5 =	vge.s32 v8, v3;
	vm6 =	vge.s32 v8, v4  }
0x4d: {  	vm7 =	vge.s32 v9, v2;
	vm8 =	vge.s32 v9, v3;
	vm9 =	vge.s32 v9, v4  }
0x4e: {  	vm10 =	vge.s32 v10, v2;
	vm11 =	vge.s32 v10, v3;
	vm12 =	vge.s32 v10, v4  }
0x4f: {  	v11 =	vsel vm2, $0x1, v0;
	v12 =	vsel vm3, $0x1, v0;
	v13 =	vsel vm1, $0x1, v0  }
0x50: {  	v14 =	vsel vm4, $0x1, v0;
	v15 =	vsel vm5, $0x1, v0;
	v16 =	vsel vm6, $0x1, v0  }
0x51: {  	s18 =	sshra.s32 s17, $0x2;
	v10 =	vsel vm7, $0x1, v0;
	v17 =	vsel vm8, $0x1, v0;
	v18 =	vsel vm9, $0x1, v0  }
0x52: {  	v9 =	vsel vm10, $0x1, v0;
	v20 =	vsel vm11, $0x1, v0;
	v21 =	vsel vm12, $0x1, v0;
	v19 =	vld [tilespmem:s18+$0x180]  }
.Ltmp2:
0x53: {  	v5 =	vadd.s32 v9, v5;
	v7 =	vadd.s32 v20, v7;
	v6 =	vadd.s32 v21, v6;
	v8 =	vld [tilespmem:s18+$0x100];
	(pc) =	sbr.rel @p0 .LBB2_6-.Ltmp2, $4  }
0x54: {  	v5 =	vadd.s32 v10, v5;
	v7 =	vadd.s32 v17, v7;
	v6 =	vadd.s32 v18, v6;
	v9 =	vld [tilespmem:s18+$0x80]  }
0x55: {  	v5 =	vadd.s32 v14, v5;
	v7 =	vadd.s32 v15, v7;
	v6 =	vadd.s32 v16, v6;
	v10 =	vld [tilespmem:s18+$0x0]  }
0x56: {  	v5 =	vadd.s32 v11, v5;
	v7 =	vadd.s32 v12, v7;
	v6 =	vadd.s32 v13, v6  }
0x57: {  	s17 =	sadd.s32 $0x800, s17;
	vm2 =	vge.s32 v19, v2;
	vm3 =	vge.s32 v19, v3;
	vm1 =	vge.s32 v19, v4  }
0x58: {  	vm4 =	vge.s32 v8, v2;
	vm5 =	vge.s32 v8, v3  }
0x59: {  	vm6 =	vge.s32 v8, v4;
	vm7 =	vge.s32 v9, v2;
	vm8 =	vge.s32 v9, v3  }
0x5a: {  	vm9 =	vge.s32 v9, v4;
	v56 =	vsel vm4, $0x1, v0;
	v57 =	vsel vm5, $0x1, v0  }
0x5b: {  	v58 =	vsel vm6, $0x1, v0;
	vm10 =	vge.s32 v10, v2;
	vm11 =	vge.s32 v10, v3  }
0x5c: {  	vm12 =	vge.s32 v10, v4;
	v2 =	vsel vm2, $0x1, v0;
	v3 =	vsel vm3, $0x1, v0  }
0x5d: {  	v59 =	vsel vm7, $0x1, v0;
	v11 =	vsel vm8, $0x1, v0;
	v12 =	vsel vm10, $0x1, v0  }
0x5e: {  	v13 =	vsel vm9, $0x1, v0;
	v14 =	vsel vm11, $0x1, v0;
	v5 =	vadd.s32 v12, v5  }
0x5f: {  	v60 =	vsel vm12, $0x1, v0;
	v7 =	vadd.s32 v14, v7;
	v5 =	vadd.s32 v59, v5  }
0x60: {  	v6 =	vadd.s32 v60, v6;
	v7 =	vadd.s32 v11, v7;
	v4 =	vadd.s32 v56, v5  }
0x61: {  	v61 =	vadd.s32 v13, v6;
	v62 =	vadd.s32 v57, v7;
	v2 =	vadd.s32 v2, v4  }
0x62: {  	v63 =	vsel vm1, $0x1, v0;
	v5 =	vadd.s32 v58, v61;
	v3 =	vadd.s32 v3, v62;
	(xrf0) =	vadd.scan.msk.s32 $0xffff, v2  }
0x63: {  	v2 =	vadd.s32 v63, v5;
	(xrf0) =	vadd.scan.msk.s32 $0xffff, v3  }
0x64: {  	(xrf0) =	vadd.scan.msk.s32 $0xffff, v2;
	_ =	sdelay $0x3  }
0x65: {  	v2, _, _ =	vpop (xrf0)  }
0x66: {  	v3, _, _ =	vpop (xrf0);
	(v2sf) =	vpush v2, $0xF  }
0x67: {  	(v2sf) =	vpush v3, $0xF;
	v2, _, _ =	vpop (xrf0)  }
0x68: {  	(v2sf) =	vpush v2, $0xF;
	_ =	sdelay $0xc  }
0x69: {  	s17 =	spop (v2sf)  }
0x6a: {  	s18 =	spop (v2sf);
	p0 =	sge.s32 s17, s13;
	s17 =	simm.s32 $0x1  }
0x6b: {  	s19 =	spop (v2sf);
	p1 =	slt.s32 s18, s13;
	s17 =	simm.s32 @!p0 $0x0  }
0x6c: {  	s15 =	sadd.s32 $0x1, s15;
	p0 =	slt.s32 s19, s13;
	s17 =	simm.s32 @!p1 $0x2  }
0x6d: {  	s17 =	simm.s32 @!p0 $0x3;
	p0 =	sne.s32 s15, $0xF  }
.Ltmp3:
0x6e: {  	_ = 	snop;
	(pc) =	sbr.rel @p0 .LBB2_5-.Ltmp3, $4  }
0x6f: {  	_ = 	snop  }
0x70: {  	s16 =	ssub.s32 $0x1D, s16  }
0x71: {  	s16 =	sshll.u32 s17, s16  }
0x72: {  	s14 =	sadd.s32 s14, s16  }
0x73: {  	s16 =	simm.s32 $0x0  }
0x74: {  	v5 =	vld [tilespmem:s16+$0x180];
	_ =	sdelay $0x1  }
0x75: {  	v6 =	vld [tilespmem:s16+$0x100]  }
0x76: {  	v9 =	vld [tilespmem:s16+$0x80]  }
0x77: {  	s15 =	sor.u32 $0x1, s14;
	s17 =	sadd.s32 $0x2, s14;
	v3 =	vmov s14;
	v7 =	vimm.s32 $0x0;
	v8 =	vimm.s32 $0x0;
	v10 =	vld [tilespmem:s16+$0x0]  }
0x78: {  	v2 =	vmov s17;
	v4 =	vmov s15;
	vm3 =	vge.s32 v5, v3  }
0x79: {  	s16 =	simm.s32 $0x800;
	vm2 =	vge.s32 v5, v4;
	vm1 =	vge.s32 v5, v2;
	v5 =	vimm.s32 $0x0  }
.LBB2_9:
0x7a: {  	p0 =	sne.s32 s16, $0x1F800;
	vm4 =	vge.s32 v6, v3;
	vm5 =	vge.s32 v6, v4;
	vm6 =	vge.s32 v6, v2  }
0x7b: {  	vm7 =	vge.s32 v9, v3;
	vm8 =	vge.s32 v9, v4;
	vm9 =	vge.s32 v9, v2  }
0x7c: {  	vm10 =	vge.s32 v10, v3;
	vm11 =	vge.s32 v10, v4;
	vm12 =	vge.s32 v10, v2  }
0x7d: {  	v11 =	vsel vm3, $0x1, v0;
	v12 =	vsel vm2, $0x1, v0;
	v13 =	vsel vm1, $0x1, v0  }
0x7e: {  	v14 =	vsel vm4, $0x1, v0;
	v15 =	vsel vm5, $0x1, v0;
	v16 =	vsel vm6, $0x1, v0  }
0x7f: {  	s17 =	sshra.s32 s16, $0x2;
	v10 =	vsel vm7, $0x1, v0;
	v17 =	vsel vm8, $0x1, v0;
	v18 =	vsel vm9, $0x1, v0  }
0x80: {  	v9 =	vsel vm10, $0x1, v0;
	v20 =	vsel vm11, $0x1, v0;
	v21 =	vsel vm12, $0x1, v0;
	v19 =	vld [tilespmem:s17+$0x180]  }
.Ltmp4:
0x81: {  	v7 =	vadd.s32 v9, v7;
	v8 =	vadd.s32 v20, v8;
	v5 =	vadd.s32 v21, v5;
	v6 =	vld [tilespmem:s17+$0x100];
	(pc) =	sbr.rel @p0 .LBB2_9-.Ltmp4, $4  }
0x82: {  	v7 =	vadd.s32 v10, v7;
	v8 =	vadd.s32 v17, v8;
	v5 =	vadd.s32 v18, v5;
	v9 =	vld [tilespmem:s17+$0x80]  }
0x83: {  	v7 =	vadd.s32 v14, v7;
	v8 =	vadd.s32 v15, v8;
	v5 =	vadd.s32 v16, v5;
	v10 =	vld [tilespmem:s17+$0x0]  }
0x84: {  	v7 =	vadd.s32 v11, v7;
	v8 =	vadd.s32 v12, v8;
	v5 =	vadd.s32 v13, v5  }
0x85: {  	s16 =	sadd.s32 $0x800, s16;
	vm3 =	vge.s32 v19, v3;
	vm2 =	vge.s32 v19, v4;
	vm1 =	vge.s32 v19, v2  }
0x86: {  	vm4 =	vge.s32 v6, v3  }
0x87: {  	vm5 =	vge.s32 v6, v4;
	v61 =	vsel vm2, $0x1, v0;
	vm6 =	vge.s32 v9, v3  }
0x88: {  	vm7 =	vge.s32 v9, v4;
	v57 =	vsel vm4, $0x1, v0;
	v60 =	vsel vm5, $0x1, v0  }
0x89: {  	vm2 =	vge.s32 v9, v2;
	vm8 =	vge.s32 v10, v3;
	vm9 =	vge.s32 v10, v4  }
0x8a: {  	vm10 =	vge.s32 v10, v2;
	v3 =	vsel vm3, $0x1, v0;
	v58 =	vsel vm8, $0x1, v0  }
0x8b: {  	v11 =	vsel vm6, $0x1, v0;
	v12 =	vsel vm9, $0x1, v0;
	v7 =	vadd.s32 v58, v7  }
0x8c: {  	v59 =	vsel vm7, $0x1, v0;
	v8 =	vadd.s32 v12, v8;
	v7 =	vadd.s32 v11, v7  }
0x8d: {  	vm3 =	vge.s32 v6, v2;
	v8 =	vadd.s32 v59, v8;
	v4 =	vadd.s32 v57, v7  }
0x8e: {  	v62 =	vsel vm10, $0x1, v0;
	v8 =	vadd.s32 v60, v8;
	v3 =	vadd.s32 v3, v4  }
0x8f: {  	v2 =	vsel vm2, $0x1, v0;
	v7 =	vadd.s32 v61, v8;
	(xrf0) =	vadd.scan.msk.s32 $0xffff, v3;
	v3 =	vadd.s32 v62, v5  }
0x90: {  	v63 =	vsel vm3, $0x1, v0;
	(xrf0) =	vadd.scan.msk.s32 $0xffff, v7;
	v2 =	vadd.s32 v2, v3  }
0x91: {  	v3 =	vsel vm1, $0x1, v0;
	v2 =	vadd.s32 v63, v2  }
0x92: {  	v2 =	vadd.s32 v3, v2;
	_ =	sdelay $0x2  }
0x93: {  	(xrf0) =	vadd.scan.msk.s32 $0xffff, v2;
	v2, _, _ =	vpop (xrf0)  }
0x94: {  	v3, _, _ =	vpop (xrf0);
	(v2sf) =	vpush v2, $0xF  }
0x95: {  	(v2sf) =	vpush v3, $0xF;
	_ =	sdelay $0x6  }
0x96: {  	v2, _, _ =	vpop (xrf0)  }
0x97: {  	(v2sf) =	vpush v2, $0xF;
	_ =	sdelay $0x5  }
0x98: {  	s17 =	spop (v2sf)  }
0x99: {  	s16 =	spop (v2sf)  }
0x9a: {  	p0 =	slt.s32 s16, s13;
	s18 =	smov.u32 s16  }
0x9b: {  	s18 =	smov.u32 @p0 s17  }
0x9c: {  	p1 =	seq.s32 s13, s18  }
.Ltmp5:
0x9d: {  	_ = 	snop;
	(pc) =	sbr.rel @p1 .LBB2_15-.Ltmp5, $3  }
0x9e: {  	_ =	sdelay $0x1  }
0x9f: {  	s15 =	smov.u32 @p0 s14  }
0xa0: {  	s14 =	simm.s32 $0xFFF;
	s17 =	spop (v2sf);
	v2 =	vmov s15  }
0xa1: {  	s17 =	smov.u32 @p0 s16;
	s16 =	simm.s32 $0x0  }
0xa2: {  	s14 =	simm.s32 $0x0;
	s15 =	ssub.s32 s13, s17;
	s17 =	simm.s32 $0x0  }
.LBB2_12:
0xa3: {  	s20 =	simm.s32 $0x100  }
0xa4: {  	s18 =	sshrl.u32 s11, s17;
	v4 =	vld [tilespmem:s20+$0x80]  }
0xa5: {  	s19 =	simm.s32 $0x40;
	v6 =	vimm.s32 $0x0;
	s18 =	sadd.s32 s18, s14;
	v7 =	vld [tilespmem:s20+$0xFFFFFF00]  }
0xa6: {  	v9 =	vor.u32 s16, v1;
	s22 =	simm.s32 $0x20;
	s31 =	simm.s32 $0x30;
	v8 =	vld [tilespmem:s20+$0xFFFFFF80];
	v5 =	vor.u32 s19, v1;
	v3 =	vmov s18  }
0xa7: {  	s21 =	simm.s32 $0x10;
	v10 =	vld [tilespmem:s20+$0x0];
	v11 =	vor.u32 s22, v1;
	v12 =	vor.u32 s31, v1;
	vm2 =	vlt.s32 v9, v3  }
0xa8: {  	v9 =	vor.u32 s21, v1;
	vm5 =	vlt.s32 v12, v3;
	vm1 =	vlt.s32 v11, v3  }
0xa9: {  	vm3 =	vlt.s32 v9, v3;
	v9 =	vimm.s32 $0x0;
	vm4 =	veq.s32 v4, v2  }
0xaa: {  	vm6 =	veq.s32 v7, v2;
	v7 =	vimm.s32 $0x0;
	vm4 =	vmand vm5, vm4  }
0xab: {  	s20 =	simm.s32 $0x300;
	vm2 =	vmand vm2, vm6;
	vm5 =	veq.s32 v8, v2;
	v4 =	vsel vm4, $0x1, v0  }
0xac: {  	s21 =	simm.s32 $0x80;
	v8 =	vld [tilespmem:s20+$0x80];
	vm3 =	vmand vm3, vm5;
	vm4 =	veq.s32 v10, v2;
	v4 =	vadd.s32 v4, v6  }
.LBB2_13:
0xad: {  	p0 =	sne.s32 s21, $0xFC0;
	v10 =	vld [tilespmem:s20+$0xFFFFFF00];
	v11 =	vsel vm2, $0x1, v0;
	v12 =	vsel vm3, $0x1, v0;
	vm1 =	vmand vm1, vm4  }
0xae: {  	v13 =	vld [tilespmem:s20+$0xFFFFFF80];
	v6 =	vadd.s32 v11, v6;
	v9 =	vadd.s32 v12, v9;
	v11 =	vsel vm1, $0x1, v0  }
0xaf: {  	vm2 =	vlt.s32 v5, v3;
	v5 =	vor.u32 s21, v1;
	s22 =	sadd.s32 $0x10, s19;
	s23 =	sadd.s32 $0x20, s19;
	s19 =	sadd.s32 $0x30, s19;
	v12 =	vld [tilespmem:s20+$0x0];
	v7 =	vadd.s32 v11, v7  }
.Ltmp6:
0xb0: {  	v14 =	vor.u32 s23, v1;
	v15 =	vor.u32 s19, v1;
	s19 =	smov.u32 s21;
	v11 =	vor.u32 s22, v1;
	(pc) =	sbr.rel @p0 .LBB2_13-.Ltmp6, $4  }
0xb1: {  	vm5 =	vlt.s32 v15, v3;
	vm3 =	vlt.s32 v11, v3;
	vm4 =	veq.s32 v8, v2  }
0xb2: {  	vm1 =	vlt.s32 v14, v3;
	vm6 =	veq.s32 v10, v2;
	vm4 =	vmand vm5, vm4  }
0xb3: {  	s20 =	sadd.s32 $0x200, s20;
	vm2 =	vmand vm2, vm6;
	vm5 =	veq.s32 v13, v2;
	v10 =	vsel vm4, $0x1, v0  }
0xb4: {  	s21 =	sadd.s32 $0x40, s21;
	v8 =	vld [tilespmem:s20+$0x80];
	vm3 =	vmand vm3, vm5;
	vm4 =	veq.s32 v12, v2;
	v4 =	vadd.s32 v10, v4  }
0xb5: {  	v10 =	vld [tilespmem:s20+$0xFFFFFF00]  }
0xb6: {  	v11 =	vsel vm2, $0x1, v0;
	v12 =	vsel vm3, $0x1, v0;
	vm1 =	vmand vm1, vm4;
	v13 =	vld [tilespmem:s20+$0xFFFFFF80]  }
0xb7: {  	s21 =	sadd.s32 $0x10, s19;
	v56 =	vld [tilespmem:s20+$0x0];
	s29 =	sadd.s32 $0x20, s19;
	v6 =	vadd.s32 v11, v6;
	v9 =	vadd.s32 v12, v9;
	v55 =	vsel vm1, $0x1, v0  }
0xb8: {  	s30 =	sadd.s32 $0x30, s19;
	vm1 =	vlt.s32 v5, v3;
	v58 =	vor.u32 s21, v1;
	v59 =	vor.u32 s29, v1  }
0xb9: {  	v14 =	vor.u32 s30, v1;
	v57 =	vadd.s32 v55, v7;
	vm2 =	vlt.s32 v58, v3  }
0xba: {  	vm13 =	vlt.s32 v14, v3;
	vm6 =	vlt.s32 v59, v3;
	vm3 =	veq.s32 v8, v2  }
0xbb: {  	vm5 =	veq.s32 v10, v2;
	vm3 =	vmand vm13, vm3;
	vm14 =	veq.s32 v13, v2  }
0xbc: {  	vm15 =	veq.s32 v56, v2;
	vm1 =	vmand vm1, vm5;
	vm2 =	vmand vm2, vm14  }
0xbd: {  	v3 =	vsel vm1, $0x1, v0;
	v60 =	vsel vm2, $0x1, v0;
	vm1 =	vmand vm6, vm15  }
0xbe: {  	v3 =	vadd.s32 v3, v6;
	v61 =	vadd.s32 v60, v9;
	v62 =	vsel vm1, $0x1, v0  }
0xbf: {  	v63 =	vsel vm3, $0x1, v0;
	v5 =	vadd.s32 v62, v57;
	v3 =	vadd.s32 v3, v61  }
0xc0: {  	v4 =	vadd.s32 v63, v4;
	v3 =	vadd.s32 v5, v3  }
0xc1: {  	v3 =	vadd.s32 v4, v3  }
0xc2: {  	(xrf0) =	vadd.scan.msk.s32 $0xffff, v3;
	_ =	sdelay $0x5  }
0xc3: {  	v3, _, _ =	vpop (xrf0)  }
0xc4: {  	(v2sf) =	vpush v3, $0xF;
	_ =	sdelay $0xa  }
0xc5: {  	s17 =	sadd.s32 $0x1, s17  }
0xc6: {  	p1 =	sne.s32 s17, $0xC  }
.Ltmp7:
0xc7: {  	_ = 	snop;
	(pc) =	sbr.rel @p1 .LBB2_12-.Ltmp7, $4  }
0xc8: {  	_ = 	snop  }
0xc9: {  	s31 =	spop (v2sf)  }
0xca: {  	p0 =	slt.s32 s31, s15  }
0xcb: {  	s14 =	smov.u32 @p0 s18  }
.LBB2_15:
0xcc: {  	s15 =	simm.s32 $0x100  }
0xcd: {  	v4 =	vld [tilespmem:s15+$0xFFFFFF00];
	_ =	sdelay $0x2  }
0xce: {  	s16 =	simm.s32 $0x0  }
0xcf: {  	v3 =	vmov s14;
	v5 =	vor.u32 s16, v1  }
0xd0: {  	vm3 =	vle.s32 v5, v3;
	vm2 =	veq.s32 v4, v2  }
0xd1: {  	p0 =	sgt.s32 s13, $0x0;
	vm1 =	vmmov vm0;
	vm4 =	vgt.s32 v4, v2;
	vm2 =	vmand vm3, vm2  }
0xd2: {  	vm1 =	vmneg @p0 vm1;
	vm2 =	vmor vm4, vm2  }
0xd3: {  	vm2 =	vmand vm1, vm2  }
0xd4: {  	s13 =	simm.s32 $0x8100;
	v4 =	vsel vm2, $0x1, v0  }
0xd5: {  	[tilespmem:s13+$0xFFFFFF00] =	vst v4  }
0xd6: {  	v4 =	vld [tilespmem:s15+$0xFFFFFF80];
	_ =	sdelay $0x2  }
0xd7: {  	s29 =	simm.s32 $0x10  }
0xd8: {  	v5 =	vor.u32 s29, v1  }
0xd9: {  	vm3 =	vle.s32 v5, v3;
	vm2 =	veq.s32 v4, v2  }
0xda: {  	vm13 =	vgt.s32 v4, v2;
	vm2 =	vmand vm3, vm2  }
0xdb: {  	vm2 =	vmor vm13, vm2  }
0xdc: {  	vm2 =	vmand vm1, vm2  }
0xdd: {  	v4 =	vsel vm2, $0x1, v0  }
0xde: {  	[tilespmem:s13+$0xFFFFFF80] =	vst v4  }
0xdf: {  	v4 =	vld [tilespmem:s15+$0x0];
	_ =	sdelay $0x2  }
0xe0: {  	s30 =	simm.s32 $0x20  }
0xe1: {  	v5 =	vor.u32 s30, v1  }
0xe2: {  	vm3 =	vle.s32 v5, v3;
	vm2 =	veq.s32 v4, v2  }
0xe3: {  	vm14 =	vgt.s32 v4, v2;
	vm2 =	vmand vm3, vm2  }
0xe4: {  	vm2 =	vmor vm14, vm2  }
0xe5: {  	vm2 =	vmand vm1, vm2  }
0xe6: {  	v4 =	vsel vm2, $0x1, v0  }
0xe7: {  	[tilespmem:s13+$0x0] =	vst v4  }
0xe8: {  	v4 =	vld [tilespmem:s15+$0x80];
	_ =	sdelay $0x2  }
0xe9: {  	s31 =	simm.s32 $0x30  }
0xea: {  	v5 =	vor.u32 s31, v1  }
0xeb: {  	vm3 =	vle.s32 v5, v3;
	vm2 =	veq.s32 v4, v2  }
0xec: {  	vm15 =	vgt.s32 v4, v2;
	vm2 =	vmand vm3, vm2  }
0xed: {  	vm2 =	vmor vm15, vm2  }
0xee: {  	vm2 =	vmand vm1, vm2  }
0xef: {  	v4 =	vsel vm2, $0x1, v0  }
0xf0: {  	s14 =	simm.s32 $0x300;
	[tilespmem:s13+$0x80] =	vst v4  }
0xf1: {  	s16 =	simm.s32 $0x80;
	s15 =	simm.s32 $0x40;
	v4 =	vld [tilespmem:s14+$0xFFFFFF00]  }
.LBB2_16:
0xf2: {  	p0 =	sne.s32 s16, $0xFC0;
	_ =	sdelay $0x2  }
0xf3: {  	v5 =	vor.u32 s15, v1  }
0xf4: {  	vm3 =	vle.s32 v5, v3;
	vm2 =	veq.s32 v4, v2  }
0xf5: {  	vm4 =	vgt.s32 v4, v2;
	vm2 =	vmand vm3, vm2  }
0xf6: {  	vm2 =	vmor vm4, vm2  }
0xf7: {  	vm2 =	vmand vm1, vm2  }
0xf8: {  	s13 =	sadd.s32 $0x200, s13;
	v4 =	vsel vm2, $0x1, v0  }
0xf9: {  	[tilespmem:s13+$0xFFFFFF00] =	vst v4  }
0xfa: {  	v4 =	vld [tilespmem:s14+$0xFFFFFF80];
	_ =	sdelay $0x2  }
0xfb: {  	s17 =	sadd.s32 $0x10, s15  }
0xfc: {  	v5 =	vor.u32 s17, v1  }
0xfd: {  	vm3 =	vle.s32 v5, v3;
	vm2 =	veq.s32 v4, v2  }
0xfe: {  	vm4 =	vgt.s32 v4, v2;
	vm2 =	vmand vm3, vm2  }
0xff: {  	vm2 =	vmor vm4, vm2  }
0x100: {  	vm2 =	vmand vm1, vm2  }
0x101: {  	v4 =	vsel vm2, $0x1, v0  }
0x102: {  	[tilespmem:s13+$0xFFFFFF80] =	vst v4  }
0x103: {  	v4 =	vld [tilespmem:s14+$0x0];
	_ =	sdelay $0x2  }
0x104: {  	s17 =	sadd.s32 $0x20, s15  }
0x105: {  	v5 =	vor.u32 s17, v1  }
0x106: {  	vm3 =	vle.s32 v5, v3;
	vm2 =	veq.s32 v4, v2  }
0x107: {  	vm4 =	vgt.s32 v4, v2;
	vm2 =	vmand vm3, vm2  }
0x108: {  	vm2 =	vmor vm4, vm2  }
0x109: {  	vm2 =	vmand vm1, vm2  }
0x10a: {  	v4 =	vsel vm2, $0x1, v0  }
0x10b: {  	[tilespmem:s13+$0x0] =	vst v4  }
0x10c: {  	v4 =	vld [tilespmem:s14+$0x80];
	_ =	sdelay $0x2  }
0x10d: {  	s17 =	sadd.s32 $0x30, s15;
	s15 =	smov.u32 s16  }
0x10e: {  	v5 =	vor.u32 s17, v1  }
0x10f: {  	vm3 =	vle.s32 v5, v3;
	vm2 =	veq.s32 v4, v2  }
0x110: {  	vm4 =	vgt.s32 v4, v2;
	vm2 =	vmand vm3, vm2  }
.Ltmp8:
0x111: {  	vm2 =	vmor vm4, vm2;
	(pc) =	sbr.rel @p0 .LBB2_16-.Ltmp8, $4  }
0x112: {  	vm2 =	vmand vm1, vm2  }
0x113: {  	v4 =	vsel vm2, $0x1, v0  }
0x114: {  	s14 =	sadd.s32 $0x200, s14;
	[tilespmem:s13+$0x80] =	vst v4  }
0x115: {  	s16 =	sadd.s32 $0x40, s16;
	v4 =	vld [tilespmem:s14+$0xFFFFFF00]  }
0x116: {  	_ =	sdelay $0x2  }
0x117: {  	v5 =	vor.u32 s15, v1  }
0x118: {  	vm3 =	vle.s32 v5, v3;
	vm2 =	veq.s32 v4, v2  }
0x119: {  	vm4 =	vgt.s32 v4, v2;
	vm2 =	vmand vm3, vm2  }
0x11a: {  	vm2 =	vmor vm4, vm2  }
0x11b: {  	vm2 =	vmand vm1, vm2  }
0x11c: {  	s13 =	sadd.s32 $0x200, s13;
	v58 =	vsel vm2, $0x1, v0  }
0x11d: {  	[tilespmem:s13+$0xFFFFFF00] =	vst v58  }
0x11e: {  	v4 =	vld [tilespmem:s14+$0xFFFFFF80];
	_ =	sdelay $0x2  }
0x11f: {  	s16 =	sadd.s32 $0x10, s15  }
0x120: {  	v59 =	vor.u32 s16, v1  }
0x121: {  	vm3 =	vle.s32 v59, v3;
	vm2 =	veq.s32 v4, v2  }
0x122: {  	vm13 =	vgt.s32 v4, v2;
	vm2 =	vmand vm3, vm2  }
0x123: {  	vm2 =	vmor vm13, vm2  }
0x124: {  	vm2 =	vmand vm1, vm2  }
0x125: {  	v60 =	vsel vm2, $0x1, v0  }
0x126: {  	[tilespmem:s13+$0xFFFFFF80] =	vst v60  }
0x127: {  	v4 =	vld [tilespmem:s14+$0x0];
	_ =	sdelay $0x2  }
0x128: {  	s30 =	sadd.s32 $0x20, s15  }
0x129: {  	v61 =	vor.u32 s30, v1  }
0x12a: {  	vm3 =	vle.s32 v61, v3;
	vm2 =	veq.s32 v4, v2  }
0x12b: {  	vm14 =	vgt.s32 v4, v2;
	vm2 =	vmand vm3, vm2  }
0x12c: {  	vm2 =	vmor vm14, vm2  }
0x12d: {  	vm2 =	vmand vm1, vm2  }
0x12e: {  	v62 =	vsel vm2, $0x1, v0  }
0x12f: {  	[tilespmem:s13+$0x0] =	vst v62  }
0x130: {  	v4 =	vld [tilespmem:s14+$0x80];
	_ =	sdelay $0x2  }
0x131: {  	s31 =	sadd.s32 $0x30, s15  }
0x132: {  	v63 =	vor.u32 s31, v1  }
0x133: {  	vm3 =	vle.s32 v63, v3;
	vm2 =	veq.s32 v4, v2  }
0x134: {  	vm15 =	vgt.s32 v4, v2;
	vm2 =	vmand vm3, vm2  }
0x135: {  	vm2 =	vmor vm15, vm2  }
0x136: {  	s12 =	sadd.s32 $0x1, s12;
	vm1 =	vmand vm1, vm2  }
0x137: {  	p0 =	sne.s32 s12, s5;
	v2 =	vsel vm1, $0x1, v0  }
.Ltmp9:
0x138: {  	[tilespmem:s13+$0x80] =	vst v2;
	(pc) =	sbr.rel @p0 .LBB2_2-.Ltmp9, $4  }
0x139: {  	[hbm4b:s3+s2] =	stream.linear.scatter [tilespmem:s10], [sflag:$0x1], $0x8000, $0x38;
	[tilespmem:$0x10000] =	vst v63  }
0x13a: {  	_ =	swait.ge [sflag:s6], $0x8000  }
0x13b: {  	[sflag:s6] =	ssyncset.done $0x0  }
0x13c: {  	[sflag:s6] =	ssyncadd.s32 $0xFFFF8000  }
.LBB2_18:
0x13d: {  	_ =	sfence.sel $0x180000  }
0x13e: {  	[bflag:$0x0] =	sbarrier.arrive $0xFFFF  }
0x13f: {  	p0 =	sne.s32 s1, $0x0;
	_ =	strace $0x90000047  }
0x140: {  	s0 =	sadd.s32 @!p0 $0x100000, s0;
	[bflag:$0x2] =	sbarrier.arrive $0xFFFF  }
0x141: {  	[sflag:s0] =	ssyncadd.tile.s32 @!p0 $0x1;
	_ =	shalt  }
.Lfunc_end2:
_tile_overlayer_lowered:
.L_overlay_start_2:
0x142: {  	(tag) =	ssettag $0x2  }
0x143: {  	s0 =	rddreg [dreg:$0x0];
	s2 =	stileid.u32  }
0x144: {  	s1 =	rddreg [dreg:$0x1];
	p0 =	sne.s32 s2, $0x0  }
0x145: {  	s3 =	rddreg [dreg:$0x2];
	[bflag:$0x3] =	sbarrier.arrive $0xFFFF;
	s2 =	simm.s32 @!p0 $0x1C02  }
0x146: {  	[timem:s3], [sflag:s2] =	dma.local @!p0 [hbm:s0], s1  }
0x147: {  	s0 =	simm.s32 @!p0 $0x2  }
0x148: {  	_ =	swait.ge @!p0 [sflag:s0], s1  }
0x149: {  	s1 =	ssub.s32 @!p0 $0x0, s1;
	[sflag:s0] =	ssyncset.done @!p0 $0x0  }
0x14a: {  	[sflag:s0] =	ssyncadd.s32 @!p0 s1  }
0x14b: {  	[bflag:$0x3] =	sbarrier.arrive $0xFFFF  }
0x14c: {  	_ =	shalt  }

</sc_bundles>
